<compile_context>
chip_gen: v7x
topology: tpu7x:2x2x1
jax: 0.10.2.dev20260603
libtpu: 0.0.44.dev20260713+nightly
codegen_flags: <defaults>
</compile_context>

<pallas_src>
import functools

import jax
import jax.numpy as jnp
from jax import lax
from jax.experimental import pallas as pl
from jax.experimental.pallas import tpu as pltpu
from jax.experimental.pallas import tpu_sc as plsc

_NC = 2
_NS = 16
_NW = _NC * _NS
_L = 16

_ROWS = 2
_E = 1_600_000
_DIL = 2
_OUT_E = _E // _DIL

_CC = 6_400
_OC = _CC // _DIL
_N_CHUNK = _E // _CC
_ROUNDS = -(-_N_CHUNK // _NW)
_NBUF = 4
_PDI = 3
_PD = 2

_mesh = plsc.VectorSubcoreMesh(
    core_axis_name="c", subcore_axis_name="s", num_cores=_NC, num_subcores=_NS
)


@functools.partial(
    pl.kernel,
    out_type=(
        jax.ShapeDtypeStruct((_ROWS, _OUT_E), jnp.int32),
        jax.ShapeDtypeStruct((1, _E), jnp.float32),
    ),
    mesh=_mesh,
    scratch_types=(
        [pltpu.VMEM((_ROWS, _CC), jnp.int32) for _ in range(_NBUF)]
        + [pltpu.VMEM((_ROWS, _OC), jnp.int32) for _ in range(_NBUF)]
        + [pltpu.VMEM((1, _CC), jnp.float32) for _ in range(_NBUF)]
        + [pltpu.SemaphoreType.DMA for _ in range(4 * _NBUF)]
    ),
    compiler_params=pltpu.CompilerParams(needs_layout_passes=False),
)
def _dilate(in_hbm, attr_hbm, out_hbm, attr_out_hbm, *bufs_and_sems):
    in_bufs = bufs_and_sems[:_NBUF]
    out_bufs = bufs_and_sems[_NBUF:2 * _NBUF]
    at_bufs = bufs_and_sems[2 * _NBUF:3 * _NBUF]
    sems = bufs_and_sems[3 * _NBUF:]
    sins = sems[:_NBUF]
    souts = sems[_NBUF:2 * _NBUF]
    sais = sems[2 * _NBUF:3 * _NBUF]
    saos = sems[3 * _NBUF:]

    cid = lax.axis_index("c")
    sid = lax.axis_index("s")
    wid = sid * _NC + cid

    lane = lax.iota(jnp.int32, _L)

    def chunk_id(t):
        return wid + t * _NW

    def valid(t):
        return chunk_id(t) < _N_CHUNK

    def in_pair(t, b):
        return (in_hbm.at[:, pl.ds(chunk_id(t) * _CC, _CC)], in_bufs[b], sins[b])

    def out_pair(t, b):
        return (out_bufs[b], out_hbm.at[:, pl.ds(chunk_id(t) * _OC, _OC)], souts[b])

    def attr_in_pair(t, b):
        return (attr_hbm.at[:, pl.ds(chunk_id(t) * _CC, _CC)], at_bufs[b], sais[b])

    def attr_out_pair(t, b):
        return (at_bufs[b], attr_out_hbm.at[:, pl.ds(chunk_id(t) * _CC, _CC)], saos[b])

    for p in range(_PDI):
        @pl.when(valid(p))
        def _(p=p):
            pltpu.async_copy(*in_pair(p, p % _NBUF))
            if p < _PD:
                pltpu.async_copy(*attr_in_pair(p, p % _NBUF))

    def round_body(t, b):
        bp = (b + _PD) % _NBUF

        @pl.when(valid(t + _PDI))
        def _():
            pltpu.async_copy(*in_pair(t + _PDI, (b + _PDI) % _NBUF))

        @pl.when(valid(t + _PD))
        def _():
            @pl.when(t + _PD >= _NBUF)
            def _():
                pltpu.make_async_copy(*attr_out_pair(t + _PD - _NBUF, bp)).wait()
            pltpu.async_copy(*attr_in_pair(t + _PD, bp))

        @pl.when(valid(t))
        def _():
            pltpu.make_async_copy(*attr_in_pair(t, b)).wait()
            pltpu.async_copy(*attr_out_pair(t, b))
            pltpu.make_async_copy(*in_pair(t, b)).wait()
            @pl.when(t >= _NBUF)
            def _():
                pltpu.make_async_copy(*out_pair(t - _NBUF, b)).wait()
            src = in_bufs[b]
            dst = out_bufs[b]
            for r in range(_ROWS):
                row_idx = jnp.full((_L,), r, jnp.int32)

                @plsc.parallel_loop(0, _OC // _L, unroll=4)
                def _(i):
                    col_idx = (lane + i * _L) * _DIL
                    dst[r, pl.ds(i * _L, _L)] = plsc.load_gather(
                        src, [row_idx, col_idx])

            pltpu.async_copy(*out_pair(t, b))

    def ring_body(tt, carry):
        for b in range(_NBUF):
            round_body(_NBUF * tt + b, b)
        return carry

    lax.fori_loop(0, _ROUNDS // _NBUF, ring_body, 0)

    for t in range(_ROUNDS):
        @pl.when(jnp.logical_and(valid(t), jnp.logical_not(valid(t + _NBUF))))
        def _(t=t):
            pltpu.make_async_copy(*out_pair(t, t % _NBUF)).wait()
            pltpu.make_async_copy(*attr_out_pair(t, t % _NBUF)).wait()


def kernel(edge_index, edge_attr):
    out, attr_out = _dilate(edge_index, edge_attr)
    return out, attr_out

# --- scband reference (transcript-rebuilt; emitter-appended) ---
"""Pipeline reference for scband-dilated-7937099563610 (READ-ONLY COPY).

The authoritative reference and input builder live on the scoring server;
editing this copy changes nothing except your own understanding.
"""

import jax, jax.numpy as jnp
import numpy as np

N_NODES = 50000
N_EDGES = 1600000
DILATION = 2


def setup_inputs(seed: int = 0) -> dict:
    key = jax.random.key(seed)
    k1, k2 = jax.random.split(key)
    edge_index = jax.random.randint(k1, (2, N_EDGES), 0, N_NODES, dtype=jnp.int64 if jax.config.jax_enable_x64 else jnp.int32).astype(jnp.int32)
    edge_attr = jax.random.normal(k2, (1, N_EDGES), dtype=jnp.float32)
    return {"edge_index": edge_index, "edge_attr": edge_attr}


def reference(edge_index, edge_attr):
    # Dilated.forward with stochastic=False:
    #   edge_index = edge_index[:, ::dilation]
    #   return (edge_index, edge_attr)
    # Note: in the non-stochastic branch edge_attr is returned UNCHANGED
    # (only edge_index is dilated), faithfully matching the torch module.
    edge_index_d = edge_index[:, ::DILATION]
    return (edge_index_d, edge_attr)

if __name__ == "__main__":
    import jax
    _d = setup_inputs()
    print(jax.jit(kernel)(*tuple(_d.values())))

</pallas_src>

<mosaic_0001>
#map = affine_map<(d0, d1) -> (0, 0)>
module attributes {stable_mosaic.version = 14 : i64} {
  func.func @_dilate(%arg0: i32, %arg1: i32, %arg2: memref<2x1600000xi32, #tpu.memory_space<hbm>>, %arg3: memref<1x1600000xf32, #tpu.memory_space<hbm>>, %arg4: memref<2x800000xi32, #tpu.memory_space<hbm>>, %arg5: memref<1x1600000xf32, #tpu.memory_space<hbm>>, %arg6: memref<2x6400xi32, #tpu.memory_space<vmem>>, %arg7: memref<2x6400xi32, #tpu.memory_space<vmem>>, %arg8: memref<2x6400xi32, #tpu.memory_space<vmem>>, %arg9: memref<2x6400xi32, #tpu.memory_space<vmem>>, %arg10: memref<2x3200xi32, #tpu.memory_space<vmem>>, %arg11: memref<2x3200xi32, #tpu.memory_space<vmem>>, %arg12: memref<2x3200xi32, #tpu.memory_space<vmem>>, %arg13: memref<2x3200xi32, #tpu.memory_space<vmem>>, %arg14: memref<1x6400xf32, #tpu.memory_space<vmem>>, %arg15: memref<1x6400xf32, #tpu.memory_space<vmem>>, %arg16: memref<1x6400xf32, #tpu.memory_space<vmem>>, %arg17: memref<1x6400xf32, #tpu.memory_space<vmem>>, %arg18: memref<!tpu.dma_semaphore, #tpu.memory_space<semaphore_mem>>, %arg19: memref<!tpu.dma_semaphore, #tpu.memory_space<semaphore_mem>>, %arg20: memref<!tpu.dma_semaphore, #tpu.memory_space<semaphore_mem>>, %arg21: memref<!tpu.dma_semaphore, #tpu.memory_space<semaphore_mem>>, %arg22: memref<!tpu.dma_semaphore, #tpu.memory_space<semaphore_mem>>, %arg23: memref<!tpu.dma_semaphore, #tpu.memory_space<semaphore_mem>>, %arg24: memref<!tpu.dma_semaphore, #tpu.memory_space<semaphore_mem>>, %arg25: memref<!tpu.dma_semaphore, #tpu.memory_space<semaphore_mem>>, %arg26: memref<!tpu.dma_semaphore, #tpu.memory_space<semaphore_mem>>, %arg27: memref<!tpu.dma_semaphore, #tpu.memory_space<semaphore_mem>>, %arg28: memref<!tpu.dma_semaphore, #tpu.memory_space<semaphore_mem>>, %arg29: memref<!tpu.dma_semaphore, #tpu.memory_space<semaphore_mem>>, %arg30: memref<!tpu.dma_semaphore, #tpu.memory_space<semaphore_mem>>, %arg31: memref<!tpu.dma_semaphore, #tpu.memory_space<semaphore_mem>>, %arg32: memref<!tpu.dma_semaphore, #tpu.memory_space<semaphore_mem>>, %arg33: memref<!tpu.dma_semaphore, #tpu.memory_space<semaphore_mem>>) attributes {dimension_semantics = [#tpu.dimension_semantics<core_parallel>, #tpu.dimension_semantics<subcore_parallel>], iteration_bounds = array<i64: 2, 16>, scalar_prefetch = 0 : i64, scratch_operands = 28 : i64, tpu.core_type = #tpu.core_type<sc_vector_subcore>, window_params = [{transform_indices = #map}, {transform_indices = #map}, {transform_indices = #map}, {transform_indices = #map}]} {
    %mul3A = arith.constant 2 : i32
    %mul3A_0 = arith.muli %arg1, %mul3A : i32
    %add3A = arith.addi %mul3A_0, %arg0 : i32
    %iota3A = tpu.iota {dimensions = array<i32: 0>} : vector<16xi32>
    %add3A_1 = arith.constant 0 : i32
    %add3A_2 = arith.addi %add3A, %add3A_1 : i32
    %lt3A = arith.constant 250 : i32
    %lt3A_3 = arith.cmpi slt, %add3A_2, %lt3A : i32
    %convert_element_type3A = arith.extui %lt3A_3 : i1 to i32
    %cond3A = arith.constant 0 : i32
    %cond3A_4 = arith.cmpi ne, %convert_element_type3A, %cond3A : i32
    scf.if %cond3A_4 {
      %add3A_134 = arith.constant 0 : i32
      %add3A_135 = arith.addi %add3A, %add3A_134 : i32
      %mul3A_136 = arith.constant 6400 : i32
      %mul3A_137 = arith.muli %add3A_135, %mul3A_136 : i32
      %dma_start3A = arith.constant 0 : i32
      %dma_start3A_138 = tpu.memref_slice %arg2[%dma_start3A, %mul3A_137] : memref<2x1600000xi32, #tpu.memory_space<hbm>> -> memref<2x6400xi32, #tpu.memory_space<hbm>>
      %dma_start3A_139 = arith.constant 0 : i32
      %dma_start3A_140 = tpu.memref_slice %arg2[%dma_start3A_139, %mul3A_137] : memref<2x1600000xi32, #tpu.memory_space<hbm>> -> memref<2x6400xi32, #tpu.memory_space<hbm>>
      tpu.enqueue_dma source(%dma_start3A_140 : memref<2x6400xi32, #tpu.memory_space<hbm>>) target(%arg6 : memref<2x6400xi32, #tpu.memory_space<vmem>>) target_semaphore(%arg18 : memref<!tpu.dma_semaphore, #tpu.memory_space<semaphore_mem>>)
      %add3A_141 = arith.constant 0 : i32
      %add3A_142 = arith.addi %add3A, %add3A_141 : i32
      %mul3A_143 = arith.constant 6400 : i32
      %mul3A_144 = arith.muli %add3A_142, %mul3A_143 : i32
      %dma_start3A_145 = arith.constant 0 : i32
      %dma_start3A_146 = tpu.memref_slice %arg3[%dma_start3A_145, %mul3A_144] : memref<1x1600000xf32, #tpu.memory_space<hbm>> -> memref<1x6400xf32, #tpu.memory_space<hbm>>
      %dma_start3A_147 = arith.constant 0 : i32
      %dma_start3A_148 = tpu.memref_slice %arg3[%dma_start3A_147, %mul3A_144] : memref<1x1600000xf32, #tpu.memory_space<hbm>> -> memref<1x6400xf32, #tpu.memory_space<hbm>>
      tpu.enqueue_dma source(%dma_start3A_148 : memref<1x6400xf32, #tpu.memory_space<hbm>>) target(%arg14 : memref<1x6400xf32, #tpu.memory_space<vmem>>) target_semaphore(%arg26 : memref<!tpu.dma_semaphore, #tpu.memory_space<semaphore_mem>>)
    } else {
    }
    %add3A_5 = arith.constant 32 : i32
    %add3A_6 = arith.addi %add3A, %add3A_5 : i32
    %lt3A_7 = arith.constant 250 : i32
    %lt3A_8 = arith.cmpi slt, %add3A_6, %lt3A_7 : i32
    %convert_element_type3A_9 = arith.extui %lt3A_8 : i1 to i32
    %cond3A_10 = arith.constant 0 : i32
    %cond3A_11 = arith.cmpi ne, %convert_element_type3A_9, %cond3A_10 : i32
    scf.if %cond3A_11 {
      %add3A_134 = arith.constant 32 : i32
      %add3A_135 = arith.addi %add3A, %add3A_134 : i32
      %mul3A_136 = arith.constant 6400 : i32
      %mul3A_137 = arith.muli %add3A_135, %mul3A_136 : i32
      %dma_start3A = arith.constant 0 : i32
      %dma_start3A_138 = tpu.memref_slice %arg2[%dma_start3A, %mul3A_137] : memref<2x1600000xi32, #tpu.memory_space<hbm>> -> memref<2x6400xi32, #tpu.memory_space<hbm>>
      %dma_start3A_139 = arith.constant 0 : i32
      %dma_start3A_140 = tpu.memref_slice %arg2[%dma_start3A_139, %mul3A_137] : memref<2x1600000xi32, #tpu.memory_space<hbm>> -> memref<2x6400xi32, #tpu.memory_space<hbm>>
      tpu.enqueue_dma source(%dma_start3A_140 : memref<2x6400xi32, #tpu.memory_space<hbm>>) target(%arg7 : memref<2x6400xi32, #tpu.memory_space<vmem>>) target_semaphore(%arg19 : memref<!tpu.dma_semaphore, #tpu.memory_space<semaphore_mem>>)
      %add3A_141 = arith.constant 32 : i32
      %add3A_142 = arith.addi %add3A, %add3A_141 : i32
      %mul3A_143 = arith.constant 6400 : i32
      %mul3A_144 = arith.muli %add3A_142, %mul3A_143 : i32
      %dma_start3A_145 = arith.constant 0 : i32
      %dma_start3A_146 = tpu.memref_slice %arg3[%dma_start3A_145, %mul3A_144] : memref<1x1600000xf32, #tpu.memory_space<hbm>> -> memref<1x6400xf32, #tpu.memory_space<hbm>>
      %dma_start3A_147 = arith.constant 0 : i32
      %dma_start3A_148 = tpu.memref_slice %arg3[%dma_start3A_147, %mul3A_144] : memref<1x1600000xf32, #tpu.memory_space<hbm>> -> memref<1x6400xf32, #tpu.memory_space<hbm>>
      tpu.enqueue_dma source(%dma_start3A_148 : memref<1x6400xf32, #tpu.memory_space<hbm>>) target(%arg15 : memref<1x6400xf32, #tpu.memory_space<vmem>>) target_semaphore(%arg27 : memref<!tpu.dma_semaphore, #tpu.memory_space<semaphore_mem>>)
    } else {
    }
    %add3A_12 = arith.constant 64 : i32
    %add3A_13 = arith.addi %add3A, %add3A_12 : i32
    %lt3A_14 = arith.constant 250 : i32
    %lt3A_15 = arith.cmpi slt, %add3A_13, %lt3A_14 : i32
    %convert_element_type3A_16 = arith.extui %lt3A_15 : i1 to i32
    %cond3A_17 = arith.constant 0 : i32
    %cond3A_18 = arith.cmpi ne, %convert_element_type3A_16, %cond3A_17 : i32
    scf.if %cond3A_18 {
      %add3A_134 = arith.constant 64 : i32
      %add3A_135 = arith.addi %add3A, %add3A_134 : i32
      %mul3A_136 = arith.constant 6400 : i32
      %mul3A_137 = arith.muli %add3A_135, %mul3A_136 : i32
      %dma_start3A = arith.constant 0 : i32
      %dma_start3A_138 = tpu.memref_slice %arg2[%dma_start3A, %mul3A_137] : memref<2x1600000xi32, #tpu.memory_space<hbm>> -> memref<2x6400xi32, #tpu.memory_space<hbm>>
      %dma_start3A_139 = arith.constant 0 : i32
      %dma_start3A_140 = tpu.memref_slice %arg2[%dma_start3A_139, %mul3A_137] : memref<2x1600000xi32, #tpu.memory_space<hbm>> -> memref<2x6400xi32, #tpu.memory_space<hbm>>
      tpu.enqueue_dma source(%dma_start3A_140 : memref<2x6400xi32, #tpu.memory_space<hbm>>) target(%arg8 : memref<2x6400xi32, #tpu.memory_space<vmem>>) target_semaphore(%arg20 : memref<!tpu.dma_semaphore, #tpu.memory_space<semaphore_mem>>)
    } else {
    }
    %scan3A = arith.constant 0 : i32
    %scan3A_19 = arith.constant 0 : i32
    %scan3A_20 = arith.constant 2 : i32
    %scan3A_21 = arith.addi %scan3A_19, %scan3A_20 : i32
    %scan3A_22 = arith.constant 1 : i32
    scf.for %scan3A_134 = %scan3A_19 to %scan3A_21 step %scan3A_22  : i32 {
      %mul3A_135 = arith.constant 4 : i32
      %mul3A_136 = arith.muli %mul3A_135, %scan3A_134 : i32
      %add3A_137 = arith.constant 0 : i32
      %add3A_138 = arith.addi %mul3A_136, %add3A_137 : i32
      %add3A_139 = arith.constant 3 : i32
      %add3A_140 = arith.addi %add3A_138, %add3A_139 : i32
      %mul3A_141 = arith.constant 32 : i32
      %mul3A_142 = arith.muli %add3A_140, %mul3A_141 : i32
      %add3A_143 = arith.addi %add3A, %mul3A_142 : i32
      %lt3A_144 = arith.constant 250 : i32
      %lt3A_145 = arith.cmpi slt, %add3A_143, %lt3A_144 : i32
      %convert_element_type3A_146 = arith.extui %lt3A_145 : i1 to i32
      %cond3A_147 = arith.constant 0 : i32
      %cond3A_148 = arith.cmpi ne, %convert_element_type3A_146, %cond3A_147 : i32
      scf.if %cond3A_148 {
        %add3A_263 = arith.constant 3 : i32
        %add3A_264 = arith.addi %add3A_138, %add3A_263 : i32
        %mul3A_265 = arith.constant 32 : i32
        %mul3A_266 = arith.muli %add3A_264, %mul3A_265 : i32
        %add3A_267 = arith.addi %add3A, %mul3A_266 : i32
        %mul3A_268 = arith.constant 6400 : i32
        %mul3A_269 = arith.muli %add3A_267, %mul3A_268 : i32
        %dma_start3A = arith.constant 0 : i32
        %dma_start3A_270 = tpu.memref_slice %arg2[%dma_start3A, %mul3A_269] : memref<2x1600000xi32, #tpu.memory_space<hbm>> -> memref<2x6400xi32, #tpu.memory_space<hbm>>
        %dma_start3A_271 = arith.constant 0 : i32
        %dma_start3A_272 = tpu.memref_slice %arg2[%dma_start3A_271, %mul3A_269] : memref<2x1600000xi32, #tpu.memory_space<hbm>> -> memref<2x6400xi32, #tpu.memory_space<hbm>>
        tpu.enqueue_dma source(%dma_start3A_272 : memref<2x6400xi32, #tpu.memory_space<hbm>>) target(%arg9 : memref<2x6400xi32, #tpu.memory_space<vmem>>) target_semaphore(%arg21 : memref<!tpu.dma_semaphore, #tpu.memory_space<semaphore_mem>>)
      } else {
      }
      %add3A_149 = arith.constant 2 : i32
      %add3A_150 = arith.addi %add3A_138, %add3A_149 : i32
      %mul3A_151 = arith.constant 32 : i32
      %mul3A_152 = arith.muli %add3A_150, %mul3A_151 : i32
      %add3A_153 = arith.addi %add3A, %mul3A_152 : i32
      %lt3A_154 = arith.constant 250 : i32
      %lt3A_155 = arith.cmpi slt, %add3A_153, %lt3A_154 : i32
      %convert_element_type3A_156 = arith.extui %lt3A_155 : i1 to i32
      %cond3A_157 = arith.constant 0 : i32
      %cond3A_158 = arith.cmpi ne, %convert_element_type3A_156, %cond3A_157 : i32
      scf.if %cond3A_158 {
        %add3A_263 = arith.constant 2 : i32
        %add3A_264 = arith.addi %add3A_138, %add3A_263 : i32
        %ge3A = arith.constant 4 : i32
        %ge3A_265 = arith.cmpi sge, %add3A_264, %ge3A : i32
        %convert_element_type3A_266 = arith.extui %ge3A_265 : i1 to i32
        %cond3A_267 = arith.constant 0 : i32
        %cond3A_268 = arith.cmpi ne, %convert_element_type3A_266, %cond3A_267 : i32
        scf.if %cond3A_268 {
          %add3A_279 = arith.constant 2 : i32
          %add3A_280 = arith.addi %add3A_138, %add3A_279 : i32
          %sub3A = arith.constant 4 : i32
          %sub3A_281 = arith.subi %add3A_280, %sub3A : i32
          %mul3A_282 = arith.constant 32 : i32
          %mul3A_283 = arith.muli %sub3A_281, %mul3A_282 : i32
          %add3A_284 = arith.addi %add3A, %mul3A_283 : i32
          %mul3A_285 = arith.constant 6400 : i32
          %mul3A_286 = arith.muli %add3A_284, %mul3A_285 : i32
          %dma_wait3A = arith.constant 0 : i32
          %dma_wait3A_287 = tpu.memref_slice %arg5[%dma_wait3A, %mul3A_286] : memref<1x1600000xf32, #tpu.memory_space<hbm>> -> memref<1x6400xf32, #tpu.memory_space<hbm>>
          %dma_wait3A_288 = arith.constant 0 : i32
          %dma_wait3A_289 = tpu.memref_slice %arg5[%dma_wait3A_288, %mul3A_286] : memref<1x1600000xf32, #tpu.memory_space<hbm>> -> memref<1x6400xf32, #tpu.memory_space<hbm>>
          tpu.wait_dma2 semaphore(%arg32 : memref<!tpu.dma_semaphore, #tpu.memory_space<semaphore_mem>>) src(%arg16 : memref<1x6400xf32, #tpu.memory_space<vmem>>) dst(%dma_wait3A_289 : memref<1x6400xf32, #tpu.memory_space<hbm>>)
        } else {
        }
        %add3A_269 = arith.constant 2 : i32
        %add3A_270 = arith.addi %add3A_138, %add3A_269 : i32
        %mul3A_271 = arith.constant 32 : i32
        %mul3A_272 = arith.muli %add3A_270, %mul3A_271 : i32
        %add3A_273 = arith.addi %add3A, %mul3A_272 : i32
        %mul3A_274 = arith.constant 6400 : i32
        %mul3A_275 = arith.muli %add3A_273, %mul3A_274 : i32
        %dma_start3A = arith.constant 0 : i32
        %dma_start3A_276 = tpu.memref_slice %arg3[%dma_start3A, %mul3A_275] : memref<1x1600000xf32, #tpu.memory_space<hbm>> -> memref<1x6400xf32, #tpu.memory_space<hbm>>
        %dma_start3A_277 = arith.constant 0 : i32
        %dma_start3A_278 = tpu.memref_slice %arg3[%dma_start3A_277, %mul3A_275] : memref<1x1600000xf32, #tpu.memory_space<hbm>> -> memref<1x6400xf32, #tpu.memory_space<hbm>>
        tpu.enqueue_dma source(%dma_start3A_278 : memref<1x6400xf32, #tpu.memory_space<hbm>>) target(%arg16 : memref<1x6400xf32, #tpu.memory_space<vmem>>) target_semaphore(%arg28 : memref<!tpu.dma_semaphore, #tpu.memory_space<semaphore_mem>>)
      } else {
      }
      %mul3A_159 = arith.constant 32 : i32
      %mul3A_160 = arith.muli %add3A_138, %mul3A_159 : i32
      %add3A_161 = arith.addi %add3A, %mul3A_160 : i32
      %lt3A_162 = arith.constant 250 : i32
      %lt3A_163 = arith.cmpi slt, %add3A_161, %lt3A_162 : i32
      %convert_element_type3A_164 = arith.extui %lt3A_163 : i1 to i32
      %cond3A_165 = arith.constant 0 : i32
      %cond3A_166 = arith.cmpi ne, %convert_element_type3A_164, %cond3A_165 : i32
      scf.if %cond3A_166 {
        %mul3A_263 = arith.constant 32 : i32
        %mul3A_264 = arith.muli %add3A_138, %mul3A_263 : i32
        %add3A_265 = arith.addi %add3A, %mul3A_264 : i32
        %mul3A_266 = arith.constant 6400 : i32
        %mul3A_267 = arith.muli %add3A_265, %mul3A_266 : i32
        %dma_wait3A = arith.constant 0 : i32
        %dma_wait3A_268 = tpu.memref_slice %arg3[%dma_wait3A, %mul3A_267] : memref<1x1600000xf32, #tpu.memory_space<hbm>> -> memref<1x6400xf32, #tpu.memory_space<hbm>>
        %dma_wait3A_269 = arith.constant 0 : i32
        %dma_wait3A_270 = tpu.memref_slice %arg3[%dma_wait3A_269, %mul3A_267] : memref<1x1600000xf32, #tpu.memory_space<hbm>> -> memref<1x6400xf32, #tpu.memory_space<hbm>>
        tpu.wait_dma2 semaphore(%arg26 : memref<!tpu.dma_semaphore, #tpu.memory_space<semaphore_mem>>) src(%dma_wait3A_270 : memref<1x6400xf32, #tpu.memory_space<hbm>>) dst(%arg14 : memref<1x6400xf32, #tpu.memory_space<vmem>>)
        %mul3A_271 = arith.constant 32 : i32
        %mul3A_272 = arith.muli %add3A_138, %mul3A_271 : i32
        %add3A_273 = arith.addi %add3A, %mul3A_272 : i32
        %mul3A_274 = arith.constant 6400 : i32
        %mul3A_275 = arith.muli %add3A_273, %mul3A_274 : i32
        %dma_start3A = arith.constant 0 : i32
        %dma_start3A_276 = tpu.memref_slice %arg5[%dma_start3A, %mul3A_275] : memref<1x1600000xf32, #tpu.memory_space<hbm>> -> memref<1x6400xf32, #tpu.memory_space<hbm>>
        %dma_start3A_277 = arith.constant 0 : i32
        %dma_start3A_278 = tpu.memref_slice %arg5[%dma_start3A_277, %mul3A_275] : memref<1x1600000xf32, #tpu.memory_space<hbm>> -> memref<1x6400xf32, #tpu.memory_space<hbm>>
        tpu.enqueue_dma source(%arg14 : memref<1x6400xf32, #tpu.memory_space<vmem>>) target(%dma_start3A_278 : memref<1x6400xf32, #tpu.memory_space<hbm>>) target_semaphore(%arg30 : memref<!tpu.dma_semaphore, #tpu.memory_space<semaphore_mem>>)
        %mul3A_279 = arith.constant 32 : i32
        %mul3A_280 = arith.muli %add3A_138, %mul3A_279 : i32
        %add3A_281 = arith.addi %add3A, %mul3A_280 : i32
        %mul3A_282 = arith.constant 6400 : i32
        %mul3A_283 = arith.muli %add3A_281, %mul3A_282 : i32
        %dma_wait3A_284 = arith.constant 0 : i32
        %dma_wait3A_285 = tpu.memref_slice %arg2[%dma_wait3A_284, %mul3A_283] : memref<2x1600000xi32, #tpu.memory_space<hbm>> -> memref<2x6400xi32, #tpu.memory_space<hbm>>
        %dma_wait3A_286 = arith.constant 0 : i32
        %dma_wait3A_287 = tpu.memref_slice %arg2[%dma_wait3A_286, %mul3A_283] : memref<2x1600000xi32, #tpu.memory_space<hbm>> -> memref<2x6400xi32, #tpu.memory_space<hbm>>
        tpu.wait_dma2 semaphore(%arg18 : memref<!tpu.dma_semaphore, #tpu.memory_space<semaphore_mem>>) src(%dma_wait3A_287 : memref<2x6400xi32, #tpu.memory_space<hbm>>) dst(%arg6 : memref<2x6400xi32, #tpu.memory_space<vmem>>)
        %ge3A = arith.constant 4 : i32
        %ge3A_288 = arith.cmpi sge, %add3A_138, %ge3A : i32
        %convert_element_type3A_289 = arith.extui %ge3A_288 : i1 to i32
        %cond3A_290 = arith.constant 0 : i32
        %cond3A_291 = arith.cmpi ne, %convert_element_type3A_289, %cond3A_290 : i32
        scf.if %cond3A_291 {
          %sub3A = arith.constant 4 : i32
          %sub3A_309 = arith.subi %add3A_138, %sub3A : i32
          %mul3A_310 = arith.constant 32 : i32
          %mul3A_311 = arith.muli %sub3A_309, %mul3A_310 : i32
          %add3A_312 = arith.addi %add3A, %mul3A_311 : i32
          %mul3A_313 = arith.constant 3200 : i32
          %mul3A_314 = arith.muli %add3A_312, %mul3A_313 : i32
          %dma_wait3A_315 = arith.constant 0 : i32
          %dma_wait3A_316 = tpu.memref_slice %arg4[%dma_wait3A_315, %mul3A_314] : memref<2x800000xi32, #tpu.memory_space<hbm>> -> memref<2x3200xi32, #tpu.memory_space<hbm>>
          %dma_wait3A_317 = arith.constant 0 : i32
          %dma_wait3A_318 = tpu.memref_slice %arg4[%dma_wait3A_317, %mul3A_314] : memref<2x800000xi32, #tpu.memory_space<hbm>> -> memref<2x3200xi32, #tpu.memory_space<hbm>>
          tpu.wait_dma2 semaphore(%arg22 : memref<!tpu.dma_semaphore, #tpu.memory_space<semaphore_mem>>) src(%arg10 : memref<2x3200xi32, #tpu.memory_space<vmem>>) dst(%dma_wait3A_318 : memref<2x3200xi32, #tpu.memory_space<hbm>>)
        } else {
        }
        %broadcast_in_dim3A = arith.constant 0 : i32
        %broadcast_in_dim3A_292 = vector.broadcast %broadcast_in_dim3A : i32 to vector<16xi32>
        %parallel_loop3A = arith.constant 0 : i32
        %parallel_loop3A_293 = arith.constant 200 : i32
        %parallel_loop3A_294 = arith.constant 1 : i32
        scf.for %parallel_loop3A_309 = %parallel_loop3A to %parallel_loop3A_293 step %parallel_loop3A_294  : i32 {
          %parallel_loop3A_310 = arith.constant 16 : i32
          %parallel_loop3A_311 = arith.muli %parallel_loop3A_309, %parallel_loop3A_310 : i32
          %parallel_loop3A_312 = vector.broadcast %parallel_loop3A_311 : i32 to vector<16xi32>
          %parallel_loop3A_313 = arith.addi %iota3A, %parallel_loop3A_312 : vector<16xi32>
          %parallel_loop3A_314 = arith.constant 2 : i32
          %parallel_loop3A_315 = vector.broadcast %parallel_loop3A_314 : i32 to vector<16xi32>
          %parallel_loop3A_316 = arith.muli %parallel_loop3A_313, %parallel_loop3A_315 : vector<16xi32>
          %parallel_loop3A_317 = tpu.vector_load_idx %arg6[%broadcast_in_dim3A_292, %parallel_loop3A_316] : memref<2x6400xi32, #tpu.memory_space<vmem>>[vector<16xi32>, vector<16xi32>], vector<16xi32>,
          %parallel_loop3A_318 = arith.constant 16 : i32
          %parallel_loop3A_319 = arith.muli %parallel_loop3A_309, %parallel_loop3A_318 : i32
          %parallel_loop3A_320 = arith.constant 0 : i32
          %parallel_loop3A_321 = arith.index_cast %parallel_loop3A_320 : i32 to index
          %parallel_loop3A_322 = arith.index_cast %parallel_loop3A_319 : i32 to index
          %parallel_loop3A_323 = tpu.vector_load %arg10[%parallel_loop3A_321, %parallel_loop3A_322] {strides = array<i32>} : memref<2x3200xi32, #tpu.memory_space<vmem>>, vector<16xi32>,
          tpu.vector_store %arg10[%parallel_loop3A_321, %parallel_loop3A_322], %parallel_loop3A_317 {strides = array<i32>} : memref<2x3200xi32, #tpu.memory_space<vmem>>, vector<16xi32>,
        } {sc.loop_unroll_factor = 4 : i64, sc.parallel_access}
        %broadcast_in_dim3A_295 = arith.constant 1 : i32
        %broadcast_in_dim3A_296 = vector.broadcast %broadcast_in_dim3A_295 : i32 to vector<16xi32>
        %parallel_loop3A_297 = arith.constant 0 : i32
        %parallel_loop3A_298 = arith.constant 200 : i32
        %parallel_loop3A_299 = arith.constant 1 : i32
        scf.for %parallel_loop3A_309 = %parallel_loop3A_297 to %parallel_loop3A_298 step %parallel_loop3A_299  : i32 {
          %parallel_loop3A_310 = arith.constant 16 : i32
          %parallel_loop3A_311 = arith.muli %parallel_loop3A_309, %parallel_loop3A_310 : i32
          %parallel_loop3A_312 = vector.broadcast %parallel_loop3A_311 : i32 to vector<16xi32>
          %parallel_loop3A_313 = arith.addi %iota3A, %parallel_loop3A_312 : vector<16xi32>
          %parallel_loop3A_314 = arith.constant 2 : i32
          %parallel_loop3A_315 = vector.broadcast %parallel_loop3A_314 : i32 to vector<16xi32>
          %parallel_loop3A_316 = arith.muli %parallel_loop3A_313, %parallel_loop3A_315 : vector<16xi32>
          %parallel_loop3A_317 = tpu.vector_load_idx %arg6[%broadcast_in_dim3A_296, %parallel_loop3A_316] : memref<2x6400xi32, #tpu.memory_space<vmem>>[vector<16xi32>, vector<16xi32>], vector<16xi32>,
          %parallel_loop3A_318 = arith.constant 16 : i32
          %parallel_loop3A_319 = arith.muli %parallel_loop3A_309, %parallel_loop3A_318 : i32
          %parallel_loop3A_320 = arith.constant 1 : i32
          %parallel_loop3A_321 = arith.index_cast %parallel_loop3A_320 : i32 to index
          %parallel_loop3A_322 = arith.index_cast %parallel_loop3A_319 : i32 to index
          %parallel_loop3A_323 = tpu.vector_load %arg10[%parallel_loop3A_321, %parallel_loop3A_322] {strides = array<i32>} : memref<2x3200xi32, #tpu.memory_space<vmem>>, vector<16xi32>,
          tpu.vector_store %arg10[%parallel_loop3A_321, %parallel_loop3A_322], %parallel_loop3A_317 {strides = array<i32>} : memref<2x3200xi32, #tpu.memory_space<vmem>>, vector<16xi32>,
        } {sc.loop_unroll_factor = 4 : i64, sc.parallel_access}
        %mul3A_300 = arith.constant 32 : i32
        %mul3A_301 = arith.muli %add3A_138, %mul3A_300 : i32
        %add3A_302 = arith.addi %add3A, %mul3A_301 : i32
        %mul3A_303 = arith.constant 3200 : i32
        %mul3A_304 = arith.muli %add3A_302, %mul3A_303 : i32
        %dma_start3A_305 = arith.constant 0 : i32
        %dma_start3A_306 = tpu.memref_slice %arg4[%dma_start3A_305, %mul3A_304] : memref<2x800000xi32, #tpu.memory_space<hbm>> -> memref<2x3200xi32, #tpu.memory_space<hbm>>
        %dma_start3A_307 = arith.constant 0 : i32
        %dma_start3A_308 = tpu.memref_slice %arg4[%dma_start3A_307, %mul3A_304] : memref<2x800000xi32, #tpu.memory_space<hbm>> -> memref<2x3200xi32, #tpu.memory_space<hbm>>
        tpu.enqueue_dma source(%arg10 : memref<2x3200xi32, #tpu.memory_space<vmem>>) target(%dma_start3A_308 : memref<2x3200xi32, #tpu.memory_space<hbm>>) target_semaphore(%arg22 : memref<!tpu.dma_semaphore, #tpu.memory_space<semaphore_mem>>)
      } else {
      }
      %mul3A_167 = arith.constant 4 : i32
      %mul3A_168 = arith.muli %mul3A_167, %scan3A_134 : i32
      %add3A_169 = arith.constant 1 : i32
      %add3A_170 = arith.addi %mul3A_168, %add3A_169 : i32
      %add3A_171 = arith.constant 3 : i32
      %add3A_172 = arith.addi %add3A_170, %add3A_171 : i32
      %mul3A_173 = arith.constant 32 : i32
      %mul3A_174 = arith.muli %add3A_172, %mul3A_173 : i32
      %add3A_175 = arith.addi %add3A, %mul3A_174 : i32
      %lt3A_176 = arith.constant 250 : i32
      %lt3A_177 = arith.cmpi slt, %add3A_175, %lt3A_176 : i32
      %convert_element_type3A_178 = arith.extui %lt3A_177 : i1 to i32
      %cond3A_179 = arith.constant 0 : i32
      %cond3A_180 = arith.cmpi ne, %convert_element_type3A_178, %cond3A_179 : i32
      scf.if %cond3A_180 {
        %add3A_263 = arith.constant 3 : i32
        %add3A_264 = arith.addi %add3A_170, %add3A_263 : i32
        %mul3A_265 = arith.constant 32 : i32
        %mul3A_266 = arith.muli %add3A_264, %mul3A_265 : i32
        %add3A_267 = arith.addi %add3A, %mul3A_266 : i32
        %mul3A_268 = arith.constant 6400 : i32
        %mul3A_269 = arith.muli %add3A_267, %mul3A_268 : i32
        %dma_start3A = arith.constant 0 : i32
        %dma_start3A_270 = tpu.memref_slice %arg2[%dma_start3A, %mul3A_269] : memref<2x1600000xi32, #tpu.memory_space<hbm>> -> memref<2x6400xi32, #tpu.memory_space<hbm>>
        %dma_start3A_271 = arith.constant 0 : i32
        %dma_start3A_272 = tpu.memref_slice %arg2[%dma_start3A_271, %mul3A_269] : memref<2x1600000xi32, #tpu.memory_space<hbm>> -> memref<2x6400xi32, #tpu.memory_space<hbm>>
        tpu.enqueue_dma source(%dma_start3A_272 : memref<2x6400xi32, #tpu.memory_space<hbm>>) target(%arg6 : memref<2x6400xi32, #tpu.memory_space<vmem>>) target_semaphore(%arg18 : memref<!tpu.dma_semaphore, #tpu.memory_space<semaphore_mem>>)
      } else {
      }
      %add3A_181 = arith.constant 2 : i32
      %add3A_182 = arith.addi %add3A_170, %add3A_181 : i32
      %mul3A_183 = arith.constant 32 : i32
      %mul3A_184 = arith.muli %add3A_182, %mul3A_183 : i32
      %add3A_185 = arith.addi %add3A, %mul3A_184 : i32
      %lt3A_186 = arith.constant 250 : i32
      %lt3A_187 = arith.cmpi slt, %add3A_185, %lt3A_186 : i32
      %convert_element_type3A_188 = arith.extui %lt3A_187 : i1 to i32
      %cond3A_189 = arith.constant 0 : i32
      %cond3A_190 = arith.cmpi ne, %convert_element_type3A_188, %cond3A_189 : i32
      scf.if %cond3A_190 {
        %add3A_263 = arith.constant 2 : i32
        %add3A_264 = arith.addi %add3A_170, %add3A_263 : i32
        %ge3A = arith.constant 4 : i32
        %ge3A_265 = arith.cmpi sge, %add3A_264, %ge3A : i32
        %convert_element_type3A_266 = arith.extui %ge3A_265 : i1 to i32
        %cond3A_267 = arith.constant 0 : i32
        %cond3A_268 = arith.cmpi ne, %convert_element_type3A_266, %cond3A_267 : i32
        scf.if %cond3A_268 {
          %add3A_279 = arith.constant 2 : i32
          %add3A_280 = arith.addi %add3A_170, %add3A_279 : i32
          %sub3A = arith.constant 4 : i32
          %sub3A_281 = arith.subi %add3A_280, %sub3A : i32
          %mul3A_282 = arith.constant 32 : i32
          %mul3A_283 = arith.muli %sub3A_281, %mul3A_282 : i32
          %add3A_284 = arith.addi %add3A, %mul3A_283 : i32
          %mul3A_285 = arith.constant 6400 : i32
          %mul3A_286 = arith.muli %add3A_284, %mul3A_285 : i32
          %dma_wait3A = arith.constant 0 : i32
          %dma_wait3A_287 = tpu.memref_slice %arg5[%dma_wait3A, %mul3A_286] : memref<1x1600000xf32, #tpu.memory_space<hbm>> -> memref<1x6400xf32, #tpu.memory_space<hbm>>
          %dma_wait3A_288 = arith.constant 0 : i32
          %dma_wait3A_289 = tpu.memref_slice %arg5[%dma_wait3A_288, %mul3A_286] : memref<1x1600000xf32, #tpu.memory_space<hbm>> -> memref<1x6400xf32, #tpu.memory_space<hbm>>
          tpu.wait_dma2 semaphore(%arg33 : memref<!tpu.dma_semaphore, #tpu.memory_space<semaphore_mem>>) src(%arg17 : memref<1x6400xf32, #tpu.memory_space<vmem>>) dst(%dma_wait3A_289 : memref<1x6400xf32, #tpu.memory_space<hbm>>)
        } else {
        }
        %add3A_269 = arith.constant 2 : i32
        %add3A_270 = arith.addi %add3A_170, %add3A_269 : i32
        %mul3A_271 = arith.constant 32 : i32
        %mul3A_272 = arith.muli %add3A_270, %mul3A_271 : i32
        %add3A_273 = arith.addi %add3A, %mul3A_272 : i32
        %mul3A_274 = arith.constant 6400 : i32
        %mul3A_275 = arith.muli %add3A_273, %mul3A_274 : i32
        %dma_start3A = arith.constant 0 : i32
        %dma_start3A_276 = tpu.memref_slice %arg3[%dma_start3A, %mul3A_275] : memref<1x1600000xf32, #tpu.memory_space<hbm>> -> memref<1x6400xf32, #tpu.memory_space<hbm>>
        %dma_start3A_277 = arith.constant 0 : i32
        %dma_start3A_278 = tpu.memref_slice %arg3[%dma_start3A_277, %mul3A_275] : memref<1x1600000xf32, #tpu.memory_space<hbm>> -> memref<1x6400xf32, #tpu.memory_space<hbm>>
        tpu.enqueue_dma source(%dma_start3A_278 : memref<1x6400xf32, #tpu.memory_space<hbm>>) target(%arg17 : memref<1x6400xf32, #tpu.memory_space<vmem>>) target_semaphore(%arg29 : memref<!tpu.dma_semaphore, #tpu.memory_space<semaphore_mem>>)
      } else {
      }
      %mul3A_191 = arith.constant 32 : i32
      %mul3A_192 = arith.muli %add3A_170, %mul3A_191 : i32
      %add3A_193 = arith.addi %add3A, %mul3A_192 : i32
      %lt3A_194 = arith.constant 250 : i32
      %lt3A_195 = arith.cmpi slt, %add3A_193, %lt3A_194 : i32
      %convert_element_type3A_196 = arith.extui %lt3A_195 : i1 to i32
      %cond3A_197 = arith.constant 0 : i32
      %cond3A_198 = arith.cmpi ne, %convert_element_type3A_196, %cond3A_197 : i32
      scf.if %cond3A_198 {
        %mul3A_263 = arith.constant 32 : i32
        %mul3A_264 = arith.muli %add3A_170, %mul3A_263 : i32
        %add3A_265 = arith.addi %add3A, %mul3A_264 : i32
        %mul3A_266 = arith.constant 6400 : i32
        %mul3A_267 = arith.muli %add3A_265, %mul3A_266 : i32
        %dma_wait3A = arith.constant 0 : i32
        %dma_wait3A_268 = tpu.memref_slice %arg3[%dma_wait3A, %mul3A_267] : memref<1x1600000xf32, #tpu.memory_space<hbm>> -> memref<1x6400xf32, #tpu.memory_space<hbm>>
        %dma_wait3A_269 = arith.constant 0 : i32
        %dma_wait3A_270 = tpu.memref_slice %arg3[%dma_wait3A_269, %mul3A_267] : memref<1x1600000xf32, #tpu.memory_space<hbm>> -> memref<1x6400xf32, #tpu.memory_space<hbm>>
        tpu.wait_dma2 semaphore(%arg27 : memref<!tpu.dma_semaphore, #tpu.memory_space<semaphore_mem>>) src(%dma_wait3A_270 : memref<1x6400xf32, #tpu.memory_space<hbm>>) dst(%arg15 : memref<1x6400xf32, #tpu.memory_space<vmem>>)
        %mul3A_271 = arith.constant 32 : i32
        %mul3A_272 = arith.muli %add3A_170, %mul3A_271 : i32
        %add3A_273 = arith.addi %add3A, %mul3A_272 : i32
        %mul3A_274 = arith.constant 6400 : i32
        %mul3A_275 = arith.muli %add3A_273, %mul3A_274 : i32
        %dma_start3A = arith.constant 0 : i32
        %dma_start3A_276 = tpu.memref_slice %arg5[%dma_start3A, %mul3A_275] : memref<1x1600000xf32, #tpu.memory_space<hbm>> -> memref<1x6400xf32, #tpu.memory_space<hbm>>
        %dma_start3A_277 = arith.constant 0 : i32
        %dma_start3A_278 = tpu.memref_slice %arg5[%dma_start3A_277, %mul3A_275] : memref<1x1600000xf32, #tpu.memory_space<hbm>> -> memref<1x6400xf32, #tpu.memory_space<hbm>>
        tpu.enqueue_dma source(%arg15 : memref<1x6400xf32, #tpu.memory_space<vmem>>) target(%dma_start3A_278 : memref<1x6400xf32, #tpu.memory_space<hbm>>) target_semaphore(%arg31 : memref<!tpu.dma_semaphore, #tpu.memory_space<semaphore_mem>>)
        %mul3A_279 = arith.constant 32 : i32
        %mul3A_280 = arith.muli %add3A_170, %mul3A_279 : i32
        %add3A_281 = arith.addi %add3A, %mul3A_280 : i32
        %mul3A_282 = arith.constant 6400 : i32
        %mul3A_283 = arith.muli %add3A_281, %mul3A_282 : i32
        %dma_wait3A_284 = arith.constant 0 : i32
        %dma_wait3A_285 = tpu.memref_slice %arg2[%dma_wait3A_284, %mul3A_283] : memref<2x1600000xi32, #tpu.memory_space<hbm>> -> memref<2x6400xi32, #tpu.memory_space<hbm>>
        %dma_wait3A_286 = arith.constant 0 : i32
        %dma_wait3A_287 = tpu.memref_slice %arg2[%dma_wait3A_286, %mul3A_283] : memref<2x1600000xi32, #tpu.memory_space<hbm>> -> memref<2x6400xi32, #tpu.memory_space<hbm>>
        tpu.wait_dma2 semaphore(%arg19 : memref<!tpu.dma_semaphore, #tpu.memory_space<semaphore_mem>>) src(%dma_wait3A_287 : memref<2x6400xi32, #tpu.memory_space<hbm>>) dst(%arg7 : memref<2x6400xi32, #tpu.memory_space<vmem>>)
        %ge3A = arith.constant 4 : i32
        %ge3A_288 = arith.cmpi sge, %add3A_170, %ge3A : i32
        %convert_element_type3A_289 = arith.extui %ge3A_288 : i1 to i32
        %cond3A_290 = arith.constant 0 : i32
        %cond3A_291 = arith.cmpi ne, %convert_element_type3A_289, %cond3A_290 : i32
        scf.if %cond3A_291 {
          %sub3A = arith.constant 4 : i32
          %sub3A_309 = arith.subi %add3A_170, %sub3A : i32
          %mul3A_310 = arith.constant 32 : i32
          %mul3A_311 = arith.muli %sub3A_309, %mul3A_310 : i32
          %add3A_312 = arith.addi %add3A, %mul3A_311 : i32
          %mul3A_313 = arith.constant 3200 : i32
          %mul3A_314 = arith.muli %add3A_312, %mul3A_313 : i32
          %dma_wait3A_315 = arith.constant 0 : i32
          %dma_wait3A_316 = tpu.memref_slice %arg4[%dma_wait3A_315, %mul3A_314] : memref<2x800000xi32, #tpu.memory_space<hbm>> -> memref<2x3200xi32, #tpu.memory_space<hbm>>
          %dma_wait3A_317 = arith.constant 0 : i32
          %dma_wait3A_318 = tpu.memref_slice %arg4[%dma_wait3A_317, %mul3A_314] : memref<2x800000xi32, #tpu.memory_space<hbm>> -> memref<2x3200xi32, #tpu.memory_space<hbm>>
          tpu.wait_dma2 semaphore(%arg23 : memref<!tpu.dma_semaphore, #tpu.memory_space<semaphore_mem>>) src(%arg11 : memref<2x3200xi32, #tpu.memory_space<vmem>>) dst(%dma_wait3A_318 : memref<2x3200xi32, #tpu.memory_space<hbm>>)
        } else {
        }
        %broadcast_in_dim3A = arith.constant 0 : i32
        %broadcast_in_dim3A_292 = vector.broadcast %broadcast_in_dim3A : i32 to vector<16xi32>
        %parallel_loop3A = arith.constant 0 : i32
        %parallel_loop3A_293 = arith.constant 200 : i32
        %parallel_loop3A_294 = arith.constant 1 : i32
        scf.for %parallel_loop3A_309 = %parallel_loop3A to %parallel_loop3A_293 step %parallel_loop3A_294  : i32 {
          %parallel_loop3A_310 = arith.constant 16 : i32
          %parallel_loop3A_311 = arith.muli %parallel_loop3A_309, %parallel_loop3A_310 : i32
          %parallel_loop3A_312 = vector.broadcast %parallel_loop3A_311 : i32 to vector<16xi32>
          %parallel_loop3A_313 = arith.addi %iota3A, %parallel_loop3A_312 : vector<16xi32>
          %parallel_loop3A_314 = arith.constant 2 : i32
          %parallel_loop3A_315 = vector.broadcast %parallel_loop3A_314 : i32 to vector<16xi32>
          %parallel_loop3A_316 = arith.muli %parallel_loop3A_313, %parallel_loop3A_315 : vector<16xi32>
          %parallel_loop3A_317 = tpu.vector_load_idx %arg7[%broadcast_in_dim3A_292, %parallel_loop3A_316] : memref<2x6400xi32, #tpu.memory_space<vmem>>[vector<16xi32>, vector<16xi32>], vector<16xi32>,
          %parallel_loop3A_318 = arith.constant 16 : i32
          %parallel_loop3A_319 = arith.muli %parallel_loop3A_309, %parallel_loop3A_318 : i32
          %parallel_loop3A_320 = arith.constant 0 : i32
          %parallel_loop3A_321 = arith.index_cast %parallel_loop3A_320 : i32 to index
          %parallel_loop3A_322 = arith.index_cast %parallel_loop3A_319 : i32 to index
          %parallel_loop3A_323 = tpu.vector_load %arg11[%parallel_loop3A_321, %parallel_loop3A_322] {strides = array<i32>} : memref<2x3200xi32, #tpu.memory_space<vmem>>, vector<16xi32>,
          tpu.vector_store %arg11[%parallel_loop3A_321, %parallel_loop3A_322], %parallel_loop3A_317 {strides = array<i32>} : memref<2x3200xi32, #tpu.memory_space<vmem>>, vector<16xi32>,
        } {sc.loop_unroll_factor = 4 : i64, sc.parallel_access}
        %broadcast_in_dim3A_295 = arith.constant 1 : i32
        %broadcast_in_dim3A_296 = vector.broadcast %broadcast_in_dim3A_295 : i32 to vector<16xi32>
        %parallel_loop3A_297 = arith.constant 0 : i32
        %parallel_loop3A_298 = arith.constant 200 : i32
        %parallel_loop3A_299 = arith.constant 1 : i32
        scf.for %parallel_loop3A_309 = %parallel_loop3A_297 to %parallel_loop3A_298 step %parallel_loop3A_299  : i32 {
          %parallel_loop3A_310 = arith.constant 16 : i32
          %parallel_loop3A_311 = arith.muli %parallel_loop3A_309, %parallel_loop3A_310 : i32
          %parallel_loop3A_312 = vector.broadcast %parallel_loop3A_311 : i32 to vector<16xi32>
          %parallel_loop3A_313 = arith.addi %iota3A, %parallel_loop3A_312 : vector<16xi32>
          %parallel_loop3A_314 = arith.constant 2 : i32
          %parallel_loop3A_315 = vector.broadcast %parallel_loop3A_314 : i32 to vector<16xi32>
          %parallel_loop3A_316 = arith.muli %parallel_loop3A_313, %parallel_loop3A_315 : vector<16xi32>
          %parallel_loop3A_317 = tpu.vector_load_idx %arg7[%broadcast_in_dim3A_296, %parallel_loop3A_316] : memref<2x6400xi32, #tpu.memory_space<vmem>>[vector<16xi32>, vector<16xi32>], vector<16xi32>,
          %parallel_loop3A_318 = arith.constant 16 : i32
          %parallel_loop3A_319 = arith.muli %parallel_loop3A_309, %parallel_loop3A_318 : i32
          %parallel_loop3A_320 = arith.constant 1 : i32
          %parallel_loop3A_321 = arith.index_cast %parallel_loop3A_320 : i32 to index
          %parallel_loop3A_322 = arith.index_cast %parallel_loop3A_319 : i32 to index
          %parallel_loop3A_323 = tpu.vector_load %arg11[%parallel_loop3A_321, %parallel_loop3A_322] {strides = array<i32>} : memref<2x3200xi32, #tpu.memory_space<vmem>>, vector<16xi32>,
          tpu.vector_store %arg11[%parallel_loop3A_321, %parallel_loop3A_322], %parallel_loop3A_317 {strides = array<i32>} : memref<2x3200xi32, #tpu.memory_space<vmem>>, vector<16xi32>,
        } {sc.loop_unroll_factor = 4 : i64, sc.parallel_access}
        %mul3A_300 = arith.constant 32 : i32
        %mul3A_301 = arith.muli %add3A_170, %mul3A_300 : i32
        %add3A_302 = arith.addi %add3A, %mul3A_301 : i32
        %mul3A_303 = arith.constant 3200 : i32
        %mul3A_304 = arith.muli %add3A_302, %mul3A_303 : i32
        %dma_start3A_305 = arith.constant 0 : i32
        %dma_start3A_306 = tpu.memref_slice %arg4[%dma_start3A_305, %mul3A_304] : memref<2x800000xi32, #tpu.memory_space<hbm>> -> memref<2x3200xi32, #tpu.memory_space<hbm>>
        %dma_start3A_307 = arith.constant 0 : i32
        %dma_start3A_308 = tpu.memref_slice %arg4[%dma_start3A_307, %mul3A_304] : memref<2x800000xi32, #tpu.memory_space<hbm>> -> memref<2x3200xi32, #tpu.memory_space<hbm>>
        tpu.enqueue_dma source(%arg11 : memref<2x3200xi32, #tpu.memory_space<vmem>>) target(%dma_start3A_308 : memref<2x3200xi32, #tpu.memory_space<hbm>>) target_semaphore(%arg23 : memref<!tpu.dma_semaphore, #tpu.memory_space<semaphore_mem>>)
      } else {
      }
      %mul3A_199 = arith.constant 4 : i32
      %mul3A_200 = arith.muli %mul3A_199, %scan3A_134 : i32
      %add3A_201 = arith.constant 2 : i32
      %add3A_202 = arith.addi %mul3A_200, %add3A_201 : i32
      %add3A_203 = arith.constant 3 : i32
      %add3A_204 = arith.addi %add3A_202, %add3A_203 : i32
      %mul3A_205 = arith.constant 32 : i32
      %mul3A_206 = arith.muli %add3A_204, %mul3A_205 : i32
      %add3A_207 = arith.addi %add3A, %mul3A_206 : i32
      %lt3A_208 = arith.constant 250 : i32
      %lt3A_209 = arith.cmpi slt, %add3A_207, %lt3A_208 : i32
      %convert_element_type3A_210 = arith.extui %lt3A_209 : i1 to i32
      %cond3A_211 = arith.constant 0 : i32
      %cond3A_212 = arith.cmpi ne, %convert_element_type3A_210, %cond3A_211 : i32
      scf.if %cond3A_212 {
        %add3A_263 = arith.constant 3 : i32
        %add3A_264 = arith.addi %add3A_202, %add3A_263 : i32
        %mul3A_265 = arith.constant 32 : i32
        %mul3A_266 = arith.muli %add3A_264, %mul3A_265 : i32
        %add3A_267 = arith.addi %add3A, %mul3A_266 : i32
        %mul3A_268 = arith.constant 6400 : i32
        %mul3A_269 = arith.muli %add3A_267, %mul3A_268 : i32
        %dma_start3A = arith.constant 0 : i32
        %dma_start3A_270 = tpu.memref_slice %arg2[%dma_start3A, %mul3A_269] : memref<2x1600000xi32, #tpu.memory_space<hbm>> -> memref<2x6400xi32, #tpu.memory_space<hbm>>
        %dma_start3A_271 = arith.constant 0 : i32
        %dma_start3A_272 = tpu.memref_slice %arg2[%dma_start3A_271, %mul3A_269] : memref<2x1600000xi32, #tpu.memory_space<hbm>> -> memref<2x6400xi32, #tpu.memory_space<hbm>>
        tpu.enqueue_dma source(%dma_start3A_272 : memref<2x6400xi32, #tpu.memory_space<hbm>>) target(%arg7 : memref<2x6400xi32, #tpu.memory_space<vmem>>) target_semaphore(%arg19 : memref<!tpu.dma_semaphore, #tpu.memory_space<semaphore_mem>>)
      } else {
      }
      %add3A_213 = arith.constant 2 : i32
      %add3A_214 = arith.addi %add3A_202, %add3A_213 : i32
      %mul3A_215 = arith.constant 32 : i32
      %mul3A_216 = arith.muli %add3A_214, %mul3A_215 : i32
      %add3A_217 = arith.addi %add3A, %mul3A_216 : i32
      %lt3A_218 = arith.constant 250 : i32
      %lt3A_219 = arith.cmpi slt, %add3A_217, %lt3A_218 : i32
      %convert_element_type3A_220 = arith.extui %lt3A_219 : i1 to i32
      %cond3A_221 = arith.constant 0 : i32
      %cond3A_222 = arith.cmpi ne, %convert_element_type3A_220, %cond3A_221 : i32
      scf.if %cond3A_222 {
        %add3A_263 = arith.constant 2 : i32
        %add3A_264 = arith.addi %add3A_202, %add3A_263 : i32
        %ge3A = arith.constant 4 : i32
        %ge3A_265 = arith.cmpi sge, %add3A_264, %ge3A : i32
        %convert_element_type3A_266 = arith.extui %ge3A_265 : i1 to i32
        %cond3A_267 = arith.constant 0 : i32
        %cond3A_268 = arith.cmpi ne, %convert_element_type3A_266, %cond3A_267 : i32
        scf.if %cond3A_268 {
          %add3A_279 = arith.constant 2 : i32
          %add3A_280 = arith.addi %add3A_202, %add3A_279 : i32
          %sub3A = arith.constant 4 : i32
          %sub3A_281 = arith.subi %add3A_280, %sub3A : i32
          %mul3A_282 = arith.constant 32 : i32
          %mul3A_283 = arith.muli %sub3A_281, %mul3A_282 : i32
          %add3A_284 = arith.addi %add3A, %mul3A_283 : i32
          %mul3A_285 = arith.constant 6400 : i32
          %mul3A_286 = arith.muli %add3A_284, %mul3A_285 : i32
          %dma_wait3A = arith.constant 0 : i32
          %dma_wait3A_287 = tpu.memref_slice %arg5[%dma_wait3A, %mul3A_286] : memref<1x1600000xf32, #tpu.memory_space<hbm>> -> memref<1x6400xf32, #tpu.memory_space<hbm>>
          %dma_wait3A_288 = arith.constant 0 : i32
          %dma_wait3A_289 = tpu.memref_slice %arg5[%dma_wait3A_288, %mul3A_286] : memref<1x1600000xf32, #tpu.memory_space<hbm>> -> memref<1x6400xf32, #tpu.memory_space<hbm>>
          tpu.wait_dma2 semaphore(%arg30 : memref<!tpu.dma_semaphore, #tpu.memory_space<semaphore_mem>>) src(%arg14 : memref<1x6400xf32, #tpu.memory_space<vmem>>) dst(%dma_wait3A_289 : memref<1x6400xf32, #tpu.memory_space<hbm>>)
        } else {
        }
        %add3A_269 = arith.constant 2 : i32
        %add3A_270 = arith.addi %add3A_202, %add3A_269 : i32
        %mul3A_271 = arith.constant 32 : i32
        %mul3A_272 = arith.muli %add3A_270, %mul3A_271 : i32
        %add3A_273 = arith.addi %add3A, %mul3A_272 : i32
        %mul3A_274 = arith.constant 6400 : i32
        %mul3A_275 = arith.muli %add3A_273, %mul3A_274 : i32
        %dma_start3A = arith.constant 0 : i32
        %dma_start3A_276 = tpu.memref_slice %arg3[%dma_start3A, %mul3A_275] : memref<1x1600000xf32, #tpu.memory_space<hbm>> -> memref<1x6400xf32, #tpu.memory_space<hbm>>
        %dma_start3A_277 = arith.constant 0 : i32
        %dma_start3A_278 = tpu.memref_slice %arg3[%dma_start3A_277, %mul3A_275] : memref<1x1600000xf32, #tpu.memory_space<hbm>> -> memref<1x6400xf32, #tpu.memory_space<hbm>>
        tpu.enqueue_dma source(%dma_start3A_278 : memref<1x6400xf32, #tpu.memory_space<hbm>>) target(%arg14 : memref<1x6400xf32, #tpu.memory_space<vmem>>) target_semaphore(%arg26 : memref<!tpu.dma_semaphore, #tpu.memory_space<semaphore_mem>>)
      } else {
      }
      %mul3A_223 = arith.constant 32 : i32
      %mul3A_224 = arith.muli %add3A_202, %mul3A_223 : i32
      %add3A_225 = arith.addi %add3A, %mul3A_224 : i32
      %lt3A_226 = arith.constant 250 : i32
      %lt3A_227 = arith.cmpi slt, %add3A_225, %lt3A_226 : i32
      %convert_element_type3A_228 = arith.extui %lt3A_227 : i1 to i32
      %cond3A_229 = arith.constant 0 : i32
      %cond3A_230 = arith.cmpi ne, %convert_element_type3A_228, %cond3A_229 : i32
      scf.if %cond3A_230 {
        %mul3A_263 = arith.constant 32 : i32
        %mul3A_264 = arith.muli %add3A_202, %mul3A_263 : i32
        %add3A_265 = arith.addi %add3A, %mul3A_264 : i32
        %mul3A_266 = arith.constant 6400 : i32
        %mul3A_267 = arith.muli %add3A_265, %mul3A_266 : i32
        %dma_wait3A = arith.constant 0 : i32
        %dma_wait3A_268 = tpu.memref_slice %arg3[%dma_wait3A, %mul3A_267] : memref<1x1600000xf32, #tpu.memory_space<hbm>> -> memref<1x6400xf32, #tpu.memory_space<hbm>>
        %dma_wait3A_269 = arith.constant 0 : i32
        %dma_wait3A_270 = tpu.memref_slice %arg3[%dma_wait3A_269, %mul3A_267] : memref<1x1600000xf32, #tpu.memory_space<hbm>> -> memref<1x6400xf32, #tpu.memory_space<hbm>>
        tpu.wait_dma2 semaphore(%arg28 : memref<!tpu.dma_semaphore, #tpu.memory_space<semaphore_mem>>) src(%dma_wait3A_270 : memref<1x6400xf32, #tpu.memory_space<hbm>>) dst(%arg16 : memref<1x6400xf32, #tpu.memory_space<vmem>>)
        %mul3A_271 = arith.constant 32 : i32
        %mul3A_272 = arith.muli %add3A_202, %mul3A_271 : i32
        %add3A_273 = arith.addi %add3A, %mul3A_272 : i32
        %mul3A_274 = arith.constant 6400 : i32
        %mul3A_275 = arith.muli %add3A_273, %mul3A_274 : i32
        %dma_start3A = arith.constant 0 : i32
        %dma_start3A_276 = tpu.memref_slice %arg5[%dma_start3A, %mul3A_275] : memref<1x1600000xf32, #tpu.memory_space<hbm>> -> memref<1x6400xf32, #tpu.memory_space<hbm>>
        %dma_start3A_277 = arith.constant 0 : i32
        %dma_start3A_278 = tpu.memref_slice %arg5[%dma_start3A_277, %mul3A_275] : memref<1x1600000xf32, #tpu.memory_space<hbm>> -> memref<1x6400xf32, #tpu.memory_space<hbm>>
        tpu.enqueue_dma source(%arg16 : memref<1x6400xf32, #tpu.memory_space<vmem>>) target(%dma_start3A_278 : memref<1x6400xf32, #tpu.memory_space<hbm>>) target_semaphore(%arg32 : memref<!tpu.dma_semaphore, #tpu.memory_space<semaphore_mem>>)
        %mul3A_279 = arith.constant 32 : i32
        %mul3A_280 = arith.muli %add3A_202, %mul3A_279 : i32
        %add3A_281 = arith.addi %add3A, %mul3A_280 : i32
        %mul3A_282 = arith.constant 6400 : i32
        %mul3A_283 = arith.muli %add3A_281, %mul3A_282 : i32
        %dma_wait3A_284 = arith.constant 0 : i32
        %dma_wait3A_285 = tpu.memref_slice %arg2[%dma_wait3A_284, %mul3A_283] : memref<2x1600000xi32, #tpu.memory_space<hbm>> -> memref<2x6400xi32, #tpu.memory_space<hbm>>
        %dma_wait3A_286 = arith.constant 0 : i32
        %dma_wait3A_287 = tpu.memref_slice %arg2[%dma_wait3A_286, %mul3A_283] : memref<2x1600000xi32, #tpu.memory_space<hbm>> -> memref<2x6400xi32, #tpu.memory_space<hbm>>
        tpu.wait_dma2 semaphore(%arg20 : memref<!tpu.dma_semaphore, #tpu.memory_space<semaphore_mem>>) src(%dma_wait3A_287 : memref<2x6400xi32, #tpu.memory_space<hbm>>) dst(%arg8 : memref<2x6400xi32, #tpu.memory_space<vmem>>)
        %ge3A = arith.constant 4 : i32
        %ge3A_288 = arith.cmpi sge, %add3A_202, %ge3A : i32
        %convert_element_type3A_289 = arith.extui %ge3A_288 : i1 to i32
        %cond3A_290 = arith.constant 0 : i32
        %cond3A_291 = arith.cmpi ne, %convert_element_type3A_289, %cond3A_290 : i32
        scf.if %cond3A_291 {
          %sub3A = arith.constant 4 : i32
          %sub3A_309 = arith.subi %add3A_202, %sub3A : i32
          %mul3A_310 = arith.constant 32 : i32
          %mul3A_311 = arith.muli %sub3A_309, %mul3A_310 : i32
          %add3A_312 = arith.addi %add3A, %mul3A_311 : i32
          %mul3A_313 = arith.constant 3200 : i32
          %mul3A_314 = arith.muli %add3A_312, %mul3A_313 : i32
          %dma_wait3A_315 = arith.constant 0 : i32
          %dma_wait3A_316 = tpu.memref_slice %arg4[%dma_wait3A_315, %mul3A_314] : memref<2x800000xi32, #tpu.memory_space<hbm>> -> memref<2x3200xi32, #tpu.memory_space<hbm>>
          %dma_wait3A_317 = arith.constant 0 : i32
          %dma_wait3A_318 = tpu.memref_slice %arg4[%dma_wait3A_317, %mul3A_314] : memref<2x800000xi32, #tpu.memory_space<hbm>> -> memref<2x3200xi32, #tpu.memory_space<hbm>>
          tpu.wait_dma2 semaphore(%arg24 : memref<!tpu.dma_semaphore, #tpu.memory_space<semaphore_mem>>) src(%arg12 : memref<2x3200xi32, #tpu.memory_space<vmem>>) dst(%dma_wait3A_318 : memref<2x3200xi32, #tpu.memory_space<hbm>>)
        } else {
        }
        %broadcast_in_dim3A = arith.constant 0 : i32
        %broadcast_in_dim3A_292 = vector.broadcast %broadcast_in_dim3A : i32 to vector<16xi32>
        %parallel_loop3A = arith.constant 0 : i32
        %parallel_loop3A_293 = arith.constant 200 : i32
        %parallel_loop3A_294 = arith.constant 1 : i32
        scf.for %parallel_loop3A_309 = %parallel_loop3A to %parallel_loop3A_293 step %parallel_loop3A_294  : i32 {
          %parallel_loop3A_310 = arith.constant 16 : i32
          %parallel_loop3A_311 = arith.muli %parallel_loop3A_309, %parallel_loop3A_310 : i32
          %parallel_loop3A_312 = vector.broadcast %parallel_loop3A_311 : i32 to vector<16xi32>
          %parallel_loop3A_313 = arith.addi %iota3A, %parallel_loop3A_312 : vector<16xi32>
          %parallel_loop3A_314 = arith.constant 2 : i32
          %parallel_loop3A_315 = vector.broadcast %parallel_loop3A_314 : i32 to vector<16xi32>
          %parallel_loop3A_316 = arith.muli %parallel_loop3A_313, %parallel_loop3A_315 : vector<16xi32>
          %parallel_loop3A_317 = tpu.vector_load_idx %arg8[%broadcast_in_dim3A_292, %parallel_loop3A_316] : memref<2x6400xi32, #tpu.memory_space<vmem>>[vector<16xi32>, vector<16xi32>], vector<16xi32>,
          %parallel_loop3A_318 = arith.constant 16 : i32
          %parallel_loop3A_319 = arith.muli %parallel_loop3A_309, %parallel_loop3A_318 : i32
          %parallel_loop3A_320 = arith.constant 0 : i32
          %parallel_loop3A_321 = arith.index_cast %parallel_loop3A_320 : i32 to index
          %parallel_loop3A_322 = arith.index_cast %parallel_loop3A_319 : i32 to index
          %parallel_loop3A_323 = tpu.vector_load %arg12[%parallel_loop3A_321, %parallel_loop3A_322] {strides = array<i32>} : memref<2x3200xi32, #tpu.memory_space<vmem>>, vector<16xi32>,
          tpu.vector_store %arg12[%parallel_loop3A_321, %parallel_loop3A_322], %parallel_loop3A_317 {strides = array<i32>} : memref<2x3200xi32, #tpu.memory_space<vmem>>, vector<16xi32>,
        } {sc.loop_unroll_factor = 4 : i64, sc.parallel_access}
        %broadcast_in_dim3A_295 = arith.constant 1 : i32
        %broadcast_in_dim3A_296 = vector.broadcast %broadcast_in_dim3A_295 : i32 to vector<16xi32>
        %parallel_loop3A_297 = arith.constant 0 : i32
        %parallel_loop3A_298 = arith.constant 200 : i32
        %parallel_loop3A_299 = arith.constant 1 : i32
        scf.for %parallel_loop3A_309 = %parallel_loop3A_297 to %parallel_loop3A_298 step %parallel_loop3A_299  : i32 {
          %parallel_loop3A_310 = arith.constant 16 : i32
          %parallel_loop3A_311 = arith.muli %parallel_loop3A_309, %parallel_loop3A_310 : i32
          %parallel_loop3A_312 = vector.broadcast %parallel_loop3A_311 : i32 to vector<16xi32>
          %parallel_loop3A_313 = arith.addi %iota3A, %parallel_loop3A_312 : vector<16xi32>
          %parallel_loop3A_314 = arith.constant 2 : i32
          %parallel_loop3A_315 = vector.broadcast %parallel_loop3A_314 : i32 to vector<16xi32>
          %parallel_loop3A_316 = arith.muli %parallel_loop3A_313, %parallel_loop3A_315 : vector<16xi32>
          %parallel_loop3A_317 = tpu.vector_load_idx %arg8[%broadcast_in_dim3A_296, %parallel_loop3A_316] : memref<2x6400xi32, #tpu.memory_space<vmem>>[vector<16xi32>, vector<16xi32>], vector<16xi32>,
          %parallel_loop3A_318 = arith.constant 16 : i32
          %parallel_loop3A_319 = arith.muli %parallel_loop3A_309, %parallel_loop3A_318 : i32
          %parallel_loop3A_320 = arith.constant 1 : i32
          %parallel_loop3A_321 = arith.index_cast %parallel_loop3A_320 : i32 to index
          %parallel_loop3A_322 = arith.index_cast %parallel_loop3A_319 : i32 to index
          %parallel_loop3A_323 = tpu.vector_load %arg12[%parallel_loop3A_321, %parallel_loop3A_322] {strides = array<i32>} : memref<2x3200xi32, #tpu.memory_space<vmem>>, vector<16xi32>,
          tpu.vector_store %arg12[%parallel_loop3A_321, %parallel_loop3A_322], %parallel_loop3A_317 {strides = array<i32>} : memref<2x3200xi32, #tpu.memory_space<vmem>>, vector<16xi32>,
        } {sc.loop_unroll_factor = 4 : i64, sc.parallel_access}
        %mul3A_300 = arith.constant 32 : i32
        %mul3A_301 = arith.muli %add3A_202, %mul3A_300 : i32
        %add3A_302 = arith.addi %add3A, %mul3A_301 : i32
        %mul3A_303 = arith.constant 3200 : i32
        %mul3A_304 = arith.muli %add3A_302, %mul3A_303 : i32
        %dma_start3A_305 = arith.constant 0 : i32
        %dma_start3A_306 = tpu.memref_slice %arg4[%dma_start3A_305, %mul3A_304] : memref<2x800000xi32, #tpu.memory_space<hbm>> -> memref<2x3200xi32, #tpu.memory_space<hbm>>
        %dma_start3A_307 = arith.constant 0 : i32
        %dma_start3A_308 = tpu.memref_slice %arg4[%dma_start3A_307, %mul3A_304] : memref<2x800000xi32, #tpu.memory_space<hbm>> -> memref<2x3200xi32, #tpu.memory_space<hbm>>
        tpu.enqueue_dma source(%arg12 : memref<2x3200xi32, #tpu.memory_space<vmem>>) target(%dma_start3A_308 : memref<2x3200xi32, #tpu.memory_space<hbm>>) target_semaphore(%arg24 : memref<!tpu.dma_semaphore, #tpu.memory_space<semaphore_mem>>)
      } else {
      }
      %mul3A_231 = arith.constant 4 : i32
      %mul3A_232 = arith.muli %mul3A_231, %scan3A_134 : i32
      %add3A_233 = arith.constant 3 : i32
      %add3A_234 = arith.addi %mul3A_232, %add3A_233 : i32
      %add3A_235 = arith.constant 3 : i32
      %add3A_236 = arith.addi %add3A_234, %add3A_235 : i32
      %mul3A_237 = arith.constant 32 : i32
      %mul3A_238 = arith.muli %add3A_236, %mul3A_237 : i32
      %add3A_239 = arith.addi %add3A, %mul3A_238 : i32
      %lt3A_240 = arith.constant 250 : i32
      %lt3A_241 = arith.cmpi slt, %add3A_239, %lt3A_240 : i32
      %convert_element_type3A_242 = arith.extui %lt3A_241 : i1 to i32
      %cond3A_243 = arith.constant 0 : i32
      %cond3A_244 = arith.cmpi ne, %convert_element_type3A_242, %cond3A_243 : i32
      scf.if %cond3A_244 {
        %add3A_263 = arith.constant 3 : i32
        %add3A_264 = arith.addi %add3A_234, %add3A_263 : i32
        %mul3A_265 = arith.constant 32 : i32
        %mul3A_266 = arith.muli %add3A_264, %mul3A_265 : i32
        %add3A_267 = arith.addi %add3A, %mul3A_266 : i32
        %mul3A_268 = arith.constant 6400 : i32
        %mul3A_269 = arith.muli %add3A_267, %mul3A_268 : i32
        %dma_start3A = arith.constant 0 : i32
        %dma_start3A_270 = tpu.memref_slice %arg2[%dma_start3A, %mul3A_269] : memref<2x1600000xi32, #tpu.memory_space<hbm>> -> memref<2x6400xi32, #tpu.memory_space<hbm>>
        %dma_start3A_271 = arith.constant 0 : i32
        %dma_start3A_272 = tpu.memref_slice %arg2[%dma_start3A_271, %mul3A_269] : memref<2x1600000xi32, #tpu.memory_space<hbm>> -> memref<2x6400xi32, #tpu.memory_space<hbm>>
        tpu.enqueue_dma source(%dma_start3A_272 : memref<2x6400xi32, #tpu.memory_space<hbm>>) target(%arg8 : memref<2x6400xi32, #tpu.memory_space<vmem>>) target_semaphore(%arg20 : memref<!tpu.dma_semaphore, #tpu.memory_space<semaphore_mem>>)
      } else {
      }
      %add3A_245 = arith.constant 2 : i32
      %add3A_246 = arith.addi %add3A_234, %add3A_245 : i32
      %mul3A_247 = arith.constant 32 : i32
      %mul3A_248 = arith.muli %add3A_246, %mul3A_247 : i32
      %add3A_249 = arith.addi %add3A, %mul3A_248 : i32
      %lt3A_250 = arith.constant 250 : i32
      %lt3A_251 = arith.cmpi slt, %add3A_249, %lt3A_250 : i32
      %convert_element_type3A_252 = arith.extui %lt3A_251 : i1 to i32
      %cond3A_253 = arith.constant 0 : i32
      %cond3A_254 = arith.cmpi ne, %convert_element_type3A_252, %cond3A_253 : i32
      scf.if %cond3A_254 {
        %add3A_263 = arith.constant 2 : i32
        %add3A_264 = arith.addi %add3A_234, %add3A_263 : i32
        %ge3A = arith.constant 4 : i32
        %ge3A_265 = arith.cmpi sge, %add3A_264, %ge3A : i32
        %convert_element_type3A_266 = arith.extui %ge3A_265 : i1 to i32
        %cond3A_267 = arith.constant 0 : i32
        %cond3A_268 = arith.cmpi ne, %convert_element_type3A_266, %cond3A_267 : i32
        scf.if %cond3A_268 {
          %add3A_279 = arith.constant 2 : i32
          %add3A_280 = arith.addi %add3A_234, %add3A_279 : i32
          %sub3A = arith.constant 4 : i32
          %sub3A_281 = arith.subi %add3A_280, %sub3A : i32
          %mul3A_282 = arith.constant 32 : i32
          %mul3A_283 = arith.muli %sub3A_281, %mul3A_282 : i32
          %add3A_284 = arith.addi %add3A, %mul3A_283 : i32
          %mul3A_285 = arith.constant 6400 : i32
          %mul3A_286 = arith.muli %add3A_284, %mul3A_285 : i32
          %dma_wait3A = arith.constant 0 : i32
          %dma_wait3A_287 = tpu.memref_slice %arg5[%dma_wait3A, %mul3A_286] : memref<1x1600000xf32, #tpu.memory_space<hbm>> -> memref<1x6400xf32, #tpu.memory_space<hbm>>
          %dma_wait3A_288 = arith.constant 0 : i32
          %dma_wait3A_289 = tpu.memref_slice %arg5[%dma_wait3A_288, %mul3A_286] : memref<1x1600000xf32, #tpu.memory_space<hbm>> -> memref<1x6400xf32, #tpu.memory_space<hbm>>
          tpu.wait_dma2 semaphore(%arg31 : memref<!tpu.dma_semaphore, #tpu.memory_space<semaphore_mem>>) src(%arg15 : memref<1x6400xf32, #tpu.memory_space<vmem>>) dst(%dma_wait3A_289 : memref<1x6400xf32, #tpu.memory_space<hbm>>)
        } else {
        }
        %add3A_269 = arith.constant 2 : i32
        %add3A_270 = arith.addi %add3A_234, %add3A_269 : i32
        %mul3A_271 = arith.constant 32 : i32
        %mul3A_272 = arith.muli %add3A_270, %mul3A_271 : i32
        %add3A_273 = arith.addi %add3A, %mul3A_272 : i32
        %mul3A_274 = arith.constant 6400 : i32
        %mul3A_275 = arith.muli %add3A_273, %mul3A_274 : i32
        %dma_start3A = arith.constant 0 : i32
        %dma_start3A_276 = tpu.memref_slice %arg3[%dma_start3A, %mul3A_275] : memref<1x1600000xf32, #tpu.memory_space<hbm>> -> memref<1x6400xf32, #tpu.memory_space<hbm>>
        %dma_start3A_277 = arith.constant 0 : i32
        %dma_start3A_278 = tpu.memref_slice %arg3[%dma_start3A_277, %mul3A_275] : memref<1x1600000xf32, #tpu.memory_space<hbm>> -> memref<1x6400xf32, #tpu.memory_space<hbm>>
        tpu.enqueue_dma source(%dma_start3A_278 : memref<1x6400xf32, #tpu.memory_space<hbm>>) target(%arg15 : memref<1x6400xf32, #tpu.memory_space<vmem>>) target_semaphore(%arg27 : memref<!tpu.dma_semaphore, #tpu.memory_space<semaphore_mem>>)
      } else {
      }
      %mul3A_255 = arith.constant 32 : i32
      %mul3A_256 = arith.muli %add3A_234, %mul3A_255 : i32
      %add3A_257 = arith.addi %add3A, %mul3A_256 : i32
      %lt3A_258 = arith.constant 250 : i32
      %lt3A_259 = arith.cmpi slt, %add3A_257, %lt3A_258 : i32
      %convert_element_type3A_260 = arith.extui %lt3A_259 : i1 to i32
      %cond3A_261 = arith.constant 0 : i32
      %cond3A_262 = arith.cmpi ne, %convert_element_type3A_260, %cond3A_261 : i32
      scf.if %cond3A_262 {
        %mul3A_263 = arith.constant 32 : i32
        %mul3A_264 = arith.muli %add3A_234, %mul3A_263 : i32
        %add3A_265 = arith.addi %add3A, %mul3A_264 : i32
        %mul3A_266 = arith.constant 6400 : i32
        %mul3A_267 = arith.muli %add3A_265, %mul3A_266 : i32
        %dma_wait3A = arith.constant 0 : i32
        %dma_wait3A_268 = tpu.memref_slice %arg3[%dma_wait3A, %mul3A_267] : memref<1x1600000xf32, #tpu.memory_space<hbm>> -> memref<1x6400xf32, #tpu.memory_space<hbm>>
        %dma_wait3A_269 = arith.constant 0 : i32
        %dma_wait3A_270 = tpu.memref_slice %arg3[%dma_wait3A_269, %mul3A_267] : memref<1x1600000xf32, #tpu.memory_space<hbm>> -> memref<1x6400xf32, #tpu.memory_space<hbm>>
        tpu.wait_dma2 semaphore(%arg29 : memref<!tpu.dma_semaphore, #tpu.memory_space<semaphore_mem>>) src(%dma_wait3A_270 : memref<1x6400xf32, #tpu.memory_space<hbm>>) dst(%arg17 : memref<1x6400xf32, #tpu.memory_space<vmem>>)
        %mul3A_271 = arith.constant 32 : i32
        %mul3A_272 = arith.muli %add3A_234, %mul3A_271 : i32
        %add3A_273 = arith.addi %add3A, %mul3A_272 : i32
        %mul3A_274 = arith.constant 6400 : i32
        %mul3A_275 = arith.muli %add3A_273, %mul3A_274 : i32
        %dma_start3A = arith.constant 0 : i32
        %dma_start3A_276 = tpu.memref_slice %arg5[%dma_start3A, %mul3A_275] : memref<1x1600000xf32, #tpu.memory_space<hbm>> -> memref<1x6400xf32, #tpu.memory_space<hbm>>
        %dma_start3A_277 = arith.constant 0 : i32
        %dma_start3A_278 = tpu.memref_slice %arg5[%dma_start3A_277, %mul3A_275] : memref<1x1600000xf32, #tpu.memory_space<hbm>> -> memref<1x6400xf32, #tpu.memory_space<hbm>>
        tpu.enqueue_dma source(%arg17 : memref<1x6400xf32, #tpu.memory_space<vmem>>) target(%dma_start3A_278 : memref<1x6400xf32, #tpu.memory_space<hbm>>) target_semaphore(%arg33 : memref<!tpu.dma_semaphore, #tpu.memory_space<semaphore_mem>>)
        %mul3A_279 = arith.constant 32 : i32
        %mul3A_280 = arith.muli %add3A_234, %mul3A_279 : i32
        %add3A_281 = arith.addi %add3A, %mul3A_280 : i32
        %mul3A_282 = arith.constant 6400 : i32
        %mul3A_283 = arith.muli %add3A_281, %mul3A_282 : i32
        %dma_wait3A_284 = arith.constant 0 : i32
        %dma_wait3A_285 = tpu.memref_slice %arg2[%dma_wait3A_284, %mul3A_283] : memref<2x1600000xi32, #tpu.memory_space<hbm>> -> memref<2x6400xi32, #tpu.memory_space<hbm>>
        %dma_wait3A_286 = arith.constant 0 : i32
        %dma_wait3A_287 = tpu.memref_slice %arg2[%dma_wait3A_286, %mul3A_283] : memref<2x1600000xi32, #tpu.memory_space<hbm>> -> memref<2x6400xi32, #tpu.memory_space<hbm>>
        tpu.wait_dma2 semaphore(%arg21 : memref<!tpu.dma_semaphore, #tpu.memory_space<semaphore_mem>>) src(%dma_wait3A_287 : memref<2x6400xi32, #tpu.memory_space<hbm>>) dst(%arg9 : memref<2x6400xi32, #tpu.memory_space<vmem>>)
        %ge3A = arith.constant 4 : i32
        %ge3A_288 = arith.cmpi sge, %add3A_234, %ge3A : i32
        %convert_element_type3A_289 = arith.extui %ge3A_288 : i1 to i32
        %cond3A_290 = arith.constant 0 : i32
        %cond3A_291 = arith.cmpi ne, %convert_element_type3A_289, %cond3A_290 : i32
        scf.if %cond3A_291 {
          %sub3A = arith.constant 4 : i32
          %sub3A_309 = arith.subi %add3A_234, %sub3A : i32
          %mul3A_310 = arith.constant 32 : i32
          %mul3A_311 = arith.muli %sub3A_309, %mul3A_310 : i32
          %add3A_312 = arith.addi %add3A, %mul3A_311 : i32
          %mul3A_313 = arith.constant 3200 : i32
          %mul3A_314 = arith.muli %add3A_312, %mul3A_313 : i32
          %dma_wait3A_315 = arith.constant 0 : i32
          %dma_wait3A_316 = tpu.memref_slice %arg4[%dma_wait3A_315, %mul3A_314] : memref<2x800000xi32, #tpu.memory_space<hbm>> -> memref<2x3200xi32, #tpu.memory_space<hbm>>
          %dma_wait3A_317 = arith.constant 0 : i32
          %dma_wait3A_318 = tpu.memref_slice %arg4[%dma_wait3A_317, %mul3A_314] : memref<2x800000xi32, #tpu.memory_space<hbm>> -> memref<2x3200xi32, #tpu.memory_space<hbm>>
          tpu.wait_dma2 semaphore(%arg25 : memref<!tpu.dma_semaphore, #tpu.memory_space<semaphore_mem>>) src(%arg13 : memref<2x3200xi32, #tpu.memory_space<vmem>>) dst(%dma_wait3A_318 : memref<2x3200xi32, #tpu.memory_space<hbm>>)
        } else {
        }
        %broadcast_in_dim3A = arith.constant 0 : i32
        %broadcast_in_dim3A_292 = vector.broadcast %broadcast_in_dim3A : i32 to vector<16xi32>
        %parallel_loop3A = arith.constant 0 : i32
        %parallel_loop3A_293 = arith.constant 200 : i32
        %parallel_loop3A_294 = arith.constant 1 : i32
        scf.for %parallel_loop3A_309 = %parallel_loop3A to %parallel_loop3A_293 step %parallel_loop3A_294  : i32 {
          %parallel_loop3A_310 = arith.constant 16 : i32
          %parallel_loop3A_311 = arith.muli %parallel_loop3A_309, %parallel_loop3A_310 : i32
          %parallel_loop3A_312 = vector.broadcast %parallel_loop3A_311 : i32 to vector<16xi32>
          %parallel_loop3A_313 = arith.addi %iota3A, %parallel_loop3A_312 : vector<16xi32>
          %parallel_loop3A_314 = arith.constant 2 : i32
          %parallel_loop3A_315 = vector.broadcast %parallel_loop3A_314 : i32 to vector<16xi32>
          %parallel_loop3A_316 = arith.muli %parallel_loop3A_313, %parallel_loop3A_315 : vector<16xi32>
          %parallel_loop3A_317 = tpu.vector_load_idx %arg9[%broadcast_in_dim3A_292, %parallel_loop3A_316] : memref<2x6400xi32, #tpu.memory_space<vmem>>[vector<16xi32>, vector<16xi32>], vector<16xi32>,
          %parallel_loop3A_318 = arith.constant 16 : i32
          %parallel_loop3A_319 = arith.muli %parallel_loop3A_309, %parallel_loop3A_318 : i32
          %parallel_loop3A_320 = arith.constant 0 : i32
          %parallel_loop3A_321 = arith.index_cast %parallel_loop3A_320 : i32 to index
          %parallel_loop3A_322 = arith.index_cast %parallel_loop3A_319 : i32 to index
          %parallel_loop3A_323 = tpu.vector_load %arg13[%parallel_loop3A_321, %parallel_loop3A_322] {strides = array<i32>} : memref<2x3200xi32, #tpu.memory_space<vmem>>, vector<16xi32>,
          tpu.vector_store %arg13[%parallel_loop3A_321, %parallel_loop3A_322], %parallel_loop3A_317 {strides = array<i32>} : memref<2x3200xi32, #tpu.memory_space<vmem>>, vector<16xi32>,
        } {sc.loop_unroll_factor = 4 : i64, sc.parallel_access}
        %broadcast_in_dim3A_295 = arith.constant 1 : i32
        %broadcast_in_dim3A_296 = vector.broadcast %broadcast_in_dim3A_295 : i32 to vector<16xi32>
        %parallel_loop3A_297 = arith.constant 0 : i32
        %parallel_loop3A_298 = arith.constant 200 : i32
        %parallel_loop3A_299 = arith.constant 1 : i32
        scf.for %parallel_loop3A_309 = %parallel_loop3A_297 to %parallel_loop3A_298 step %parallel_loop3A_299  : i32 {
          %parallel_loop3A_310 = arith.constant 16 : i32
          %parallel_loop3A_311 = arith.muli %parallel_loop3A_309, %parallel_loop3A_310 : i32
          %parallel_loop3A_312 = vector.broadcast %parallel_loop3A_311 : i32 to vector<16xi32>
          %parallel_loop3A_313 = arith.addi %iota3A, %parallel_loop3A_312 : vector<16xi32>
          %parallel_loop3A_314 = arith.constant 2 : i32
          %parallel_loop3A_315 = vector.broadcast %parallel_loop3A_314 : i32 to vector<16xi32>
          %parallel_loop3A_316 = arith.muli %parallel_loop3A_313, %parallel_loop3A_315 : vector<16xi32>
          %parallel_loop3A_317 = tpu.vector_load_idx %arg9[%broadcast_in_dim3A_296, %parallel_loop3A_316] : memref<2x6400xi32, #tpu.memory_space<vmem>>[vector<16xi32>, vector<16xi32>], vector<16xi32>,
          %parallel_loop3A_318 = arith.constant 16 : i32
          %parallel_loop3A_319 = arith.muli %parallel_loop3A_309, %parallel_loop3A_318 : i32
          %parallel_loop3A_320 = arith.constant 1 : i32
          %parallel_loop3A_321 = arith.index_cast %parallel_loop3A_320 : i32 to index
          %parallel_loop3A_322 = arith.index_cast %parallel_loop3A_319 : i32 to index
          %parallel_loop3A_323 = tpu.vector_load %arg13[%parallel_loop3A_321, %parallel_loop3A_322] {strides = array<i32>} : memref<2x3200xi32, #tpu.memory_space<vmem>>, vector<16xi32>,
          tpu.vector_store %arg13[%parallel_loop3A_321, %parallel_loop3A_322], %parallel_loop3A_317 {strides = array<i32>} : memref<2x3200xi32, #tpu.memory_space<vmem>>, vector<16xi32>,
        } {sc.loop_unroll_factor = 4 : i64, sc.parallel_access}
        %mul3A_300 = arith.constant 32 : i32
        %mul3A_301 = arith.muli %add3A_234, %mul3A_300 : i32
        %add3A_302 = arith.addi %add3A, %mul3A_301 : i32
        %mul3A_303 = arith.constant 3200 : i32
        %mul3A_304 = arith.muli %add3A_302, %mul3A_303 : i32
        %dma_start3A_305 = arith.constant 0 : i32
        %dma_start3A_306 = tpu.memref_slice %arg4[%dma_start3A_305, %mul3A_304] : memref<2x800000xi32, #tpu.memory_space<hbm>> -> memref<2x3200xi32, #tpu.memory_space<hbm>>
        %dma_start3A_307 = arith.constant 0 : i32
        %dma_start3A_308 = tpu.memref_slice %arg4[%dma_start3A_307, %mul3A_304] : memref<2x800000xi32, #tpu.memory_space<hbm>> -> memref<2x3200xi32, #tpu.memory_space<hbm>>
        tpu.enqueue_dma source(%arg13 : memref<2x3200xi32, #tpu.memory_space<vmem>>) target(%dma_start3A_308 : memref<2x3200xi32, #tpu.memory_space<hbm>>) target_semaphore(%arg25 : memref<!tpu.dma_semaphore, #tpu.memory_space<semaphore_mem>>)
      } else {
      }
    }
    %scan3A_23 = arith.constant 2 : i32
    %add3A_24 = arith.constant 0 : i32
    %add3A_25 = arith.addi %add3A, %add3A_24 : i32
    %lt3A_26 = arith.constant 250 : i32
    %lt3A_27 = arith.cmpi slt, %add3A_25, %lt3A_26 : i32
    %add3A_28 = arith.constant 128 : i32
    %add3A_29 = arith.addi %add3A, %add3A_28 : i32
    %lt3A_30 = arith.constant 250 : i32
    %lt3A_31 = arith.cmpi slt, %add3A_29, %lt3A_30 : i32
    %not3A = arith.constant true
    %not3A_32 = arith.xori %lt3A_31, %not3A : i1
    %and3A = arith.andi %lt3A_27, %not3A_32 : i1
    %convert_element_type3A_33 = arith.extui %and3A : i1 to i32
    %cond3A_34 = arith.constant 0 : i32
    %cond3A_35 = arith.cmpi ne, %convert_element_type3A_33, %cond3A_34 : i32
    scf.if %cond3A_35 {
      %add3A_134 = arith.constant 0 : i32
      %add3A_135 = arith.addi %add3A, %add3A_134 : i32
      %mul3A_136 = arith.constant 3200 : i32
      %mul3A_137 = arith.muli %add3A_135, %mul3A_136 : i32
      %dma_wait3A = arith.constant 0 : i32
      %dma_wait3A_138 = tpu.memref_slice %arg4[%dma_wait3A, %mul3A_137] : memref<2x800000xi32, #tpu.memory_space<hbm>> -> memref<2x3200xi32, #tpu.memory_space<hbm>>
      %dma_wait3A_139 = arith.constant 0 : i32
      %dma_wait3A_140 = tpu.memref_slice %arg4[%dma_wait3A_139, %mul3A_137] : memref<2x800000xi32, #tpu.memory_space<hbm>> -> memref<2x3200xi32, #tpu.memory_space<hbm>>
      tpu.wait_dma2 semaphore(%arg22 : memref<!tpu.dma_semaphore, #tpu.memory_space<semaphore_mem>>) src(%arg10 : memref<2x3200xi32, #tpu.memory_space<vmem>>) dst(%dma_wait3A_140 : memref<2x3200xi32, #tpu.memory_space<hbm>>)
      %add3A_141 = arith.constant 0 : i32
      %add3A_142 = arith.addi %add3A, %add3A_141 : i32
      %mul3A_143 = arith.constant 6400 : i32
      %mul3A_144 = arith.muli %add3A_142, %mul3A_143 : i32
      %dma_wait3A_145 = arith.constant 0 : i32
      %dma_wait3A_146 = tpu.memref_slice %arg5[%dma_wait3A_145, %mul3A_144] : memref<1x1600000xf32, #tpu.memory_space<hbm>> -> memref<1x6400xf32, #tpu.memory_space<hbm>>
      %dma_wait3A_147 = arith.constant 0 : i32
      %dma_wait3A_148 = tpu.memref_slice %arg5[%dma_wait3A_147, %mul3A_144] : memref<1x1600000xf32, #tpu.memory_space<hbm>> -> memref<1x6400xf32, #tpu.memory_space<hbm>>
      tpu.wait_dma2 semaphore(%arg30 : memref<!tpu.dma_semaphore, #tpu.memory_space<semaphore_mem>>) src(%arg14 : memref<1x6400xf32, #tpu.memory_space<vmem>>) dst(%dma_wait3A_148 : memref<1x6400xf32, #tpu.memory_space<hbm>>)
    } else {
    }
    %add3A_36 = arith.constant 32 : i32
    %add3A_37 = arith.addi %add3A, %add3A_36 : i32
    %lt3A_38 = arith.constant 250 : i32
    %lt3A_39 = arith.cmpi slt, %add3A_37, %lt3A_38 : i32
    %add3A_40 = arith.constant 160 : i32
    %add3A_41 = arith.addi %add3A, %add3A_40 : i32
    %lt3A_42 = arith.constant 250 : i32
    %lt3A_43 = arith.cmpi slt, %add3A_41, %lt3A_42 : i32
    %not3A_44 = arith.constant true
    %not3A_45 = arith.xori %lt3A_43, %not3A_44 : i1
    %and3A_46 = arith.andi %lt3A_39, %not3A_45 : i1
    %convert_element_type3A_47 = arith.extui %and3A_46 : i1 to i32
    %cond3A_48 = arith.constant 0 : i32
    %cond3A_49 = arith.cmpi ne, %convert_element_type3A_47, %cond3A_48 : i32
    scf.if %cond3A_49 {
      %add3A_134 = arith.constant 32 : i32
      %add3A_135 = arith.addi %add3A, %add3A_134 : i32
      %mul3A_136 = arith.constant 3200 : i32
      %mul3A_137 = arith.muli %add3A_135, %mul3A_136 : i32
      %dma_wait3A = arith.constant 0 : i32
      %dma_wait3A_138 = tpu.memref_slice %arg4[%dma_wait3A, %mul3A_137] : memref<2x800000xi32, #tpu.memory_space<hbm>> -> memref<2x3200xi32, #tpu.memory_space<hbm>>
      %dma_wait3A_139 = arith.constant 0 : i32
      %dma_wait3A_140 = tpu.memref_slice %arg4[%dma_wait3A_139, %mul3A_137] : memref<2x800000xi32, #tpu.memory_space<hbm>> -> memref<2x3200xi32, #tpu.memory_space<hbm>>
      tpu.wait_dma2 semaphore(%arg23 : memref<!tpu.dma_semaphore, #tpu.memory_space<semaphore_mem>>) src(%arg11 : memref<2x3200xi32, #tpu.memory_space<vmem>>) dst(%dma_wait3A_140 : memref<2x3200xi32, #tpu.memory_space<hbm>>)
      %add3A_141 = arith.constant 32 : i32
      %add3A_142 = arith.addi %add3A, %add3A_141 : i32
      %mul3A_143 = arith.constant 6400 : i32
      %mul3A_144 = arith.muli %add3A_142, %mul3A_143 : i32
      %dma_wait3A_145 = arith.constant 0 : i32
      %dma_wait3A_146 = tpu.memref_slice %arg5[%dma_wait3A_145, %mul3A_144] : memref<1x1600000xf32, #tpu.memory_space<hbm>> -> memref<1x6400xf32, #tpu.memory_space<hbm>>
      %dma_wait3A_147 = arith.constant 0 : i32
      %dma_wait3A_148 = tpu.memref_slice %arg5[%dma_wait3A_147, %mul3A_144] : memref<1x1600000xf32, #tpu.memory_space<hbm>> -> memref<1x6400xf32, #tpu.memory_space<hbm>>
      tpu.wait_dma2 semaphore(%arg31 : memref<!tpu.dma_semaphore, #tpu.memory_space<semaphore_mem>>) src(%arg15 : memref<1x6400xf32, #tpu.memory_space<vmem>>) dst(%dma_wait3A_148 : memref<1x6400xf32, #tpu.memory_space<hbm>>)
    } else {
    }
    %add3A_50 = arith.constant 64 : i32
    %add3A_51 = arith.addi %add3A, %add3A_50 : i32
    %lt3A_52 = arith.constant 250 : i32
    %lt3A_53 = arith.cmpi slt, %add3A_51, %lt3A_52 : i32
    %add3A_54 = arith.constant 192 : i32
    %add3A_55 = arith.addi %add3A, %add3A_54 : i32
    %lt3A_56 = arith.constant 250 : i32
    %lt3A_57 = arith.cmpi slt, %add3A_55, %lt3A_56 : i32
    %not3A_58 = arith.constant true
    %not3A_59 = arith.xori %lt3A_57, %not3A_58 : i1
    %and3A_60 = arith.andi %lt3A_53, %not3A_59 : i1
    %convert_element_type3A_61 = arith.extui %and3A_60 : i1 to i32
    %cond3A_62 = arith.constant 0 : i32
    %cond3A_63 = arith.cmpi ne, %convert_element_type3A_61, %cond3A_62 : i32
    scf.if %cond3A_63 {
      %add3A_134 = arith.constant 64 : i32
      %add3A_135 = arith.addi %add3A, %add3A_134 : i32
      %mul3A_136 = arith.constant 3200 : i32
      %mul3A_137 = arith.muli %add3A_135, %mul3A_136 : i32
      %dma_wait3A = arith.constant 0 : i32
      %dma_wait3A_138 = tpu.memref_slice %arg4[%dma_wait3A, %mul3A_137] : memref<2x800000xi32, #tpu.memory_space<hbm>> -> memref<2x3200xi32, #tpu.memory_space<hbm>>
      %dma_wait3A_139 = arith.constant 0 : i32
      %dma_wait3A_140 = tpu.memref_slice %arg4[%dma_wait3A_139, %mul3A_137] : memref<2x800000xi32, #tpu.memory_space<hbm>> -> memref<2x3200xi32, #tpu.memory_space<hbm>>
      tpu.wait_dma2 semaphore(%arg24 : memref<!tpu.dma_semaphore, #tpu.memory_space<semaphore_mem>>) src(%arg12 : memref<2x3200xi32, #tpu.memory_space<vmem>>) dst(%dma_wait3A_140 : memref<2x3200xi32, #tpu.memory_space<hbm>>)
      %add3A_141 = arith.constant 64 : i32
      %add3A_142 = arith.addi %add3A, %add3A_141 : i32
      %mul3A_143 = arith.constant 6400 : i32
      %mul3A_144 = arith.muli %add3A_142, %mul3A_143 : i32
      %dma_wait3A_145 = arith.constant 0 : i32
      %dma_wait3A_146 = tpu.memref_slice %arg5[%dma_wait3A_145, %mul3A_144] : memref<1x1600000xf32, #tpu.memory_space<hbm>> -> memref<1x6400xf32, #tpu.memory_space<hbm>>
      %dma_wait3A_147 = arith.constant 0 : i32
      %dma_wait3A_148 = tpu.memref_slice %arg5[%dma_wait3A_147, %mul3A_144] : memref<1x1600000xf32, #tpu.memory_space<hbm>> -> memref<1x6400xf32, #tpu.memory_space<hbm>>
      tpu.wait_dma2 semaphore(%arg32 : memref<!tpu.dma_semaphore, #tpu.memory_space<semaphore_mem>>) src(%arg16 : memref<1x6400xf32, #tpu.memory_space<vmem>>) dst(%dma_wait3A_148 : memref<1x6400xf32, #tpu.memory_space<hbm>>)
    } else {
    }
    %add3A_64 = arith.constant 96 : i32
    %add3A_65 = arith.addi %add3A, %add3A_64 : i32
    %lt3A_66 = arith.constant 250 : i32
    %lt3A_67 = arith.cmpi slt, %add3A_65, %lt3A_66 : i32
    %add3A_68 = arith.constant 224 : i32
    %add3A_69 = arith.addi %add3A, %add3A_68 : i32
    %lt3A_70 = arith.constant 250 : i32
    %lt3A_71 = arith.cmpi slt, %add3A_69, %lt3A_70 : i32
    %not3A_72 = arith.constant true
    %not3A_73 = arith.xori %lt3A_71, %not3A_72 : i1
    %and3A_74 = arith.andi %lt3A_67, %not3A_73 : i1
    %convert_element_type3A_75 = arith.extui %and3A_74 : i1 to i32
    %cond3A_76 = arith.constant 0 : i32
    %cond3A_77 = arith.cmpi ne, %convert_element_type3A_75, %cond3A_76 : i32
    scf.if %cond3A_77 {
      %add3A_134 = arith.constant 96 : i32
      %add3A_135 = arith.addi %add3A, %add3A_134 : i32
      %mul3A_136 = arith.constant 3200 : i32
      %mul3A_137 = arith.muli %add3A_135, %mul3A_136 : i32
      %dma_wait3A = arith.constant 0 : i32
      %dma_wait3A_138 = tpu.memref_slice %arg4[%dma_wait3A, %mul3A_137] : memref<2x800000xi32, #tpu.memory_space<hbm>> -> memref<2x3200xi32, #tpu.memory_space<hbm>>
      %dma_wait3A_139 = arith.constant 0 : i32
      %dma_wait3A_140 = tpu.memref_slice %arg4[%dma_wait3A_139, %mul3A_137] : memref<2x800000xi32, #tpu.memory_space<hbm>> -> memref<2x3200xi32, #tpu.memory_space<hbm>>
      tpu.wait_dma2 semaphore(%arg25 : memref<!tpu.dma_semaphore, #tpu.memory_space<semaphore_mem>>) src(%arg13 : memref<2x3200xi32, #tpu.memory_space<vmem>>) dst(%dma_wait3A_140 : memref<2x3200xi32, #tpu.memory_space<hbm>>)
      %add3A_141 = arith.constant 96 : i32
      %add3A_142 = arith.addi %add3A, %add3A_141 : i32
      %mul3A_143 = arith.constant 6400 : i32
      %mul3A_144 = arith.muli %add3A_142, %mul3A_143 : i32
      %dma_wait3A_145 = arith.constant 0 : i32
      %dma_wait3A_146 = tpu.memref_slice %arg5[%dma_wait3A_145, %mul3A_144] : memref<1x1600000xf32, #tpu.memory_space<hbm>> -> memref<1x6400xf32, #tpu.memory_space<hbm>>
      %dma_wait3A_147 = arith.constant 0 : i32
      %dma_wait3A_148 = tpu.memref_slice %arg5[%dma_wait3A_147, %mul3A_144] : memref<1x1600000xf32, #tpu.memory_space<hbm>> -> memref<1x6400xf32, #tpu.memory_space<hbm>>
      tpu.wait_dma2 semaphore(%arg33 : memref<!tpu.dma_semaphore, #tpu.memory_space<semaphore_mem>>) src(%arg17 : memref<1x6400xf32, #tpu.memory_space<vmem>>) dst(%dma_wait3A_148 : memref<1x6400xf32, #tpu.memory_space<hbm>>)
    } else {
    }
    %add3A_78 = arith.constant 128 : i32
    %add3A_79 = arith.addi %add3A, %add3A_78 : i32
    %lt3A_80 = arith.constant 250 : i32
    %lt3A_81 = arith.cmpi slt, %add3A_79, %lt3A_80 : i32
    %add3A_82 = arith.constant 256 : i32
    %add3A_83 = arith.addi %add3A, %add3A_82 : i32
    %lt3A_84 = arith.constant 250 : i32
    %lt3A_85 = arith.cmpi slt, %add3A_83, %lt3A_84 : i32
    %not3A_86 = arith.constant true
    %not3A_87 = arith.xori %lt3A_85, %not3A_86 : i1
    %and3A_88 = arith.andi %lt3A_81, %not3A_87 : i1
    %convert_element_type3A_89 = arith.extui %and3A_88 : i1 to i32
    %cond3A_90 = arith.constant 0 : i32
    %cond3A_91 = arith.cmpi ne, %convert_element_type3A_89, %cond3A_90 : i32
    scf.if %cond3A_91 {
      %add3A_134 = arith.constant 128 : i32
      %add3A_135 = arith.addi %add3A, %add3A_134 : i32
      %mul3A_136 = arith.constant 3200 : i32
      %mul3A_137 = arith.muli %add3A_135, %mul3A_136 : i32
      %dma_wait3A = arith.constant 0 : i32
      %dma_wait3A_138 = tpu.memref_slice %arg4[%dma_wait3A, %mul3A_137] : memref<2x800000xi32, #tpu.memory_space<hbm>> -> memref<2x3200xi32, #tpu.memory_space<hbm>>
      %dma_wait3A_139 = arith.constant 0 : i32
      %dma_wait3A_140 = tpu.memref_slice %arg4[%dma_wait3A_139, %mul3A_137] : memref<2x800000xi32, #tpu.memory_space<hbm>> -> memref<2x3200xi32, #tpu.memory_space<hbm>>
      tpu.wait_dma2 semaphore(%arg22 : memref<!tpu.dma_semaphore, #tpu.memory_space<semaphore_mem>>) src(%arg10 : memref<2x3200xi32, #tpu.memory_space<vmem>>) dst(%dma_wait3A_140 : memref<2x3200xi32, #tpu.memory_space<hbm>>)
      %add3A_141 = arith.constant 128 : i32
      %add3A_142 = arith.addi %add3A, %add3A_141 : i32
      %mul3A_143 = arith.constant 6400 : i32
      %mul3A_144 = arith.muli %add3A_142, %mul3A_143 : i32
      %dma_wait3A_145 = arith.constant 0 : i32
      %dma_wait3A_146 = tpu.memref_slice %arg5[%dma_wait3A_145, %mul3A_144] : memref<1x1600000xf32, #tpu.memory_space<hbm>> -> memref<1x6400xf32, #tpu.memory_space<hbm>>
      %dma_wait3A_147 = arith.constant 0 : i32
      %dma_wait3A_148 = tpu.memref_slice %arg5[%dma_wait3A_147, %mul3A_144] : memref<1x1600000xf32, #tpu.memory_space<hbm>> -> memref<1x6400xf32, #tpu.memory_space<hbm>>
      tpu.wait_dma2 semaphore(%arg30 : memref<!tpu.dma_semaphore, #tpu.memory_space<semaphore_mem>>) src(%arg14 : memref<1x6400xf32, #tpu.memory_space<vmem>>) dst(%dma_wait3A_148 : memref<1x6400xf32, #tpu.memory_space<hbm>>)
    } else {
    }
    %add3A_92 = arith.constant 160 : i32
    %add3A_93 = arith.addi %add3A, %add3A_92 : i32
    %lt3A_94 = arith.constant 250 : i32
    %lt3A_95 = arith.cmpi slt, %add3A_93, %lt3A_94 : i32
    %add3A_96 = arith.constant 288 : i32
    %add3A_97 = arith.addi %add3A, %add3A_96 : i32
    %lt3A_98 = arith.constant 250 : i32
    %lt3A_99 = arith.cmpi slt, %add3A_97, %lt3A_98 : i32
    %not3A_100 = arith.constant true
    %not3A_101 = arith.xori %lt3A_99, %not3A_100 : i1
    %and3A_102 = arith.andi %lt3A_95, %not3A_101 : i1
    %convert_element_type3A_103 = arith.extui %and3A_102 : i1 to i32
    %cond3A_104 = arith.constant 0 : i32
    %cond3A_105 = arith.cmpi ne, %convert_element_type3A_103, %cond3A_104 : i32
    scf.if %cond3A_105 {
      %add3A_134 = arith.constant 160 : i32
      %add3A_135 = arith.addi %add3A, %add3A_134 : i32
      %mul3A_136 = arith.constant 3200 : i32
      %mul3A_137 = arith.muli %add3A_135, %mul3A_136 : i32
      %dma_wait3A = arith.constant 0 : i32
      %dma_wait3A_138 = tpu.memref_slice %arg4[%dma_wait3A, %mul3A_137] : memref<2x800000xi32, #tpu.memory_space<hbm>> -> memref<2x3200xi32, #tpu.memory_space<hbm>>
      %dma_wait3A_139 = arith.constant 0 : i32
      %dma_wait3A_140 = tpu.memref_slice %arg4[%dma_wait3A_139, %mul3A_137] : memref<2x800000xi32, #tpu.memory_space<hbm>> -> memref<2x3200xi32, #tpu.memory_space<hbm>>
      tpu.wait_dma2 semaphore(%arg23 : memref<!tpu.dma_semaphore, #tpu.memory_space<semaphore_mem>>) src(%arg11 : memref<2x3200xi32, #tpu.memory_space<vmem>>) dst(%dma_wait3A_140 : memref<2x3200xi32, #tpu.memory_space<hbm>>)
      %add3A_141 = arith.constant 160 : i32
      %add3A_142 = arith.addi %add3A, %add3A_141 : i32
      %mul3A_143 = arith.constant 6400 : i32
      %mul3A_144 = arith.muli %add3A_142, %mul3A_143 : i32
      %dma_wait3A_145 = arith.constant 0 : i32
      %dma_wait3A_146 = tpu.memref_slice %arg5[%dma_wait3A_145, %mul3A_144] : memref<1x1600000xf32, #tpu.memory_space<hbm>> -> memref<1x6400xf32, #tpu.memory_space<hbm>>
      %dma_wait3A_147 = arith.constant 0 : i32
      %dma_wait3A_148 = tpu.memref_slice %arg5[%dma_wait3A_147, %mul3A_144] : memref<1x1600000xf32, #tpu.memory_space<hbm>> -> memref<1x6400xf32, #tpu.memory_space<hbm>>
      tpu.wait_dma2 semaphore(%arg31 : memref<!tpu.dma_semaphore, #tpu.memory_space<semaphore_mem>>) src(%arg15 : memref<1x6400xf32, #tpu.memory_space<vmem>>) dst(%dma_wait3A_148 : memref<1x6400xf32, #tpu.memory_space<hbm>>)
    } else {
    }
    %add3A_106 = arith.constant 192 : i32
    %add3A_107 = arith.addi %add3A, %add3A_106 : i32
    %lt3A_108 = arith.constant 250 : i32
    %lt3A_109 = arith.cmpi slt, %add3A_107, %lt3A_108 : i32
    %add3A_110 = arith.constant 320 : i32
    %add3A_111 = arith.addi %add3A, %add3A_110 : i32
    %lt3A_112 = arith.constant 250 : i32
    %lt3A_113 = arith.cmpi slt, %add3A_111, %lt3A_112 : i32
    %not3A_114 = arith.constant true
    %not3A_115 = arith.xori %lt3A_113, %not3A_114 : i1
    %and3A_116 = arith.andi %lt3A_109, %not3A_115 : i1
    %convert_element_type3A_117 = arith.extui %and3A_116 : i1 to i32
    %cond3A_118 = arith.constant 0 : i32
    %cond3A_119 = arith.cmpi ne, %convert_element_type3A_117, %cond3A_118 : i32
    scf.if %cond3A_119 {
      %add3A_134 = arith.constant 192 : i32
      %add3A_135 = arith.addi %add3A, %add3A_134 : i32
      %mul3A_136 = arith.constant 3200 : i32
      %mul3A_137 = arith.muli %add3A_135, %mul3A_136 : i32
      %dma_wait3A = arith.constant 0 : i32
      %dma_wait3A_138 = tpu.memref_slice %arg4[%dma_wait3A, %mul3A_137] : memref<2x800000xi32, #tpu.memory_space<hbm>> -> memref<2x3200xi32, #tpu.memory_space<hbm>>
      %dma_wait3A_139 = arith.constant 0 : i32
      %dma_wait3A_140 = tpu.memref_slice %arg4[%dma_wait3A_139, %mul3A_137] : memref<2x800000xi32, #tpu.memory_space<hbm>> -> memref<2x3200xi32, #tpu.memory_space<hbm>>
      tpu.wait_dma2 semaphore(%arg24 : memref<!tpu.dma_semaphore, #tpu.memory_space<semaphore_mem>>) src(%arg12 : memref<2x3200xi32, #tpu.memory_space<vmem>>) dst(%dma_wait3A_140 : memref<2x3200xi32, #tpu.memory_space<hbm>>)
      %add3A_141 = arith.constant 192 : i32
      %add3A_142 = arith.addi %add3A, %add3A_141 : i32
      %mul3A_143 = arith.constant 6400 : i32
      %mul3A_144 = arith.muli %add3A_142, %mul3A_143 : i32
      %dma_wait3A_145 = arith.constant 0 : i32
      %dma_wait3A_146 = tpu.memref_slice %arg5[%dma_wait3A_145, %mul3A_144] : memref<1x1600000xf32, #tpu.memory_space<hbm>> -> memref<1x6400xf32, #tpu.memory_space<hbm>>
      %dma_wait3A_147 = arith.constant 0 : i32
      %dma_wait3A_148 = tpu.memref_slice %arg5[%dma_wait3A_147, %mul3A_144] : memref<1x1600000xf32, #tpu.memory_space<hbm>> -> memref<1x6400xf32, #tpu.memory_space<hbm>>
      tpu.wait_dma2 semaphore(%arg32 : memref<!tpu.dma_semaphore, #tpu.memory_space<semaphore_mem>>) src(%arg16 : memref<1x6400xf32, #tpu.memory_space<vmem>>) dst(%dma_wait3A_148 : memref<1x6400xf32, #tpu.memory_space<hbm>>)
    } else {
    }
    %add3A_120 = arith.constant 224 : i32
    %add3A_121 = arith.addi %add3A, %add3A_120 : i32
    %lt3A_122 = arith.constant 250 : i32
    %lt3A_123 = arith.cmpi slt, %add3A_121, %lt3A_122 : i32
    %add3A_124 = arith.constant 352 : i32
    %add3A_125 = arith.addi %add3A, %add3A_124 : i32
    %lt3A_126 = arith.constant 250 : i32
    %lt3A_127 = arith.cmpi slt, %add3A_125, %lt3A_126 : i32
    %not3A_128 = arith.constant true
    %not3A_129 = arith.xori %lt3A_127, %not3A_128 : i1
    %and3A_130 = arith.andi %lt3A_123, %not3A_129 : i1
    %convert_element_type3A_131 = arith.extui %and3A_130 : i1 to i32
    %cond3A_132 = arith.constant 0 : i32
    %cond3A_133 = arith.cmpi ne, %convert_element_type3A_131, %cond3A_132 : i32
    scf.if %cond3A_133 {
      %add3A_134 = arith.constant 224 : i32
      %add3A_135 = arith.addi %add3A, %add3A_134 : i32
      %mul3A_136 = arith.constant 3200 : i32
      %mul3A_137 = arith.muli %add3A_135, %mul3A_136 : i32
      %dma_wait3A = arith.constant 0 : i32
      %dma_wait3A_138 = tpu.memref_slice %arg4[%dma_wait3A, %mul3A_137] : memref<2x800000xi32, #tpu.memory_space<hbm>> -> memref<2x3200xi32, #tpu.memory_space<hbm>>
      %dma_wait3A_139 = arith.constant 0 : i32
      %dma_wait3A_140 = tpu.memref_slice %arg4[%dma_wait3A_139, %mul3A_137] : memref<2x800000xi32, #tpu.memory_space<hbm>> -> memref<2x3200xi32, #tpu.memory_space<hbm>>
      tpu.wait_dma2 semaphore(%arg25 : memref<!tpu.dma_semaphore, #tpu.memory_space<semaphore_mem>>) src(%arg13 : memref<2x3200xi32, #tpu.memory_space<vmem>>) dst(%dma_wait3A_140 : memref<2x3200xi32, #tpu.memory_space<hbm>>)
      %add3A_141 = arith.constant 224 : i32
      %add3A_142 = arith.addi %add3A, %add3A_141 : i32
      %mul3A_143 = arith.constant 6400 : i32
      %mul3A_144 = arith.muli %add3A_142, %mul3A_143 : i32
      %dma_wait3A_145 = arith.constant 0 : i32
      %dma_wait3A_146 = tpu.memref_slice %arg5[%dma_wait3A_145, %mul3A_144] : memref<1x1600000xf32, #tpu.memory_space<hbm>> -> memref<1x6400xf32, #tpu.memory_space<hbm>>
      %dma_wait3A_147 = arith.constant 0 : i32
      %dma_wait3A_148 = tpu.memref_slice %arg5[%dma_wait3A_147, %mul3A_144] : memref<1x1600000xf32, #tpu.memory_space<hbm>> -> memref<1x6400xf32, #tpu.memory_space<hbm>>
      tpu.wait_dma2 semaphore(%arg33 : memref<!tpu.dma_semaphore, #tpu.memory_space<semaphore_mem>>) src(%arg17 : memref<1x6400xf32, #tpu.memory_space<vmem>>) dst(%dma_wait3A_148 : memref<1x6400xf32, #tpu.memory_space<hbm>>)
    } else {
    }
    return
  }
}

</mosaic_0001>

<sc_bundles>
// kernel: kernel.3.cloned.1.call-start
scs
__scs_entry_jumppad:
0x0: {  	(pc) =	sbr.rel $0x88, $3  }
0x1: {  	(tag) =	ssettag $0x0;
	lr =	simm.s32 $0x1  }
0x2: {  	[smem:$0x3F9F] =	sst lr;
	_ =	strace $0xD0000000  }
0x3: {  	_ = 	snop  }
0x4: {  	_ = 	snop  }
0x5: {  	_ = 	snop  }
0x6: {  	_ = 	snop  }
0x7: {  	_ = 	snop  }
__scs_overlays_trampoline_lowered:
0x8: {  	[smem:$0x3FAE] =	sst s0  }
0x9: {  	[smem:$0x3FAF] =	sst s1  }
0xa: {  	[smem:$0x3FB0] =	sst s2  }
0xb: {  	[smem:$0x3FB1] =	sst s3  }
0xc: {  	[smem:$0x3FB2] =	sst s4  }
0xd: {  	[smem:$0x3FB3] =	sst s5  }
0xe: {  	[smem:$0x3FB4] =	sst s6  }
0xf: {  	[smem:$0x3FB5] =	sst s7  }
0x10: {  	[smem:$0x3FB6] =	sst s8  }
0x11: {  	[smem:$0x3FB7] =	sst s9;
	s0 =	simm.s32 @!p0 $0x0  }
0x12: {  	s1 =	sld [smem:$0x3F9D];
	s0 =	simm.s32 @p0 $0x1  }
0x13: {  	[smem:$0x3FB8] =	sst s0;
	s0 =	simm.s32 @!p1 $0x0  }
0x14: {  	s2 =	sld [smem:$0x3F9C];
	s0 =	simm.s32 @p1 $0x1  }
0x15: {  	[smem:$0x3FB9] =	sst s0;
	s0 =	simm.s32 @!p2 $0x0  }
0x16: {  	s3 =	sld [smem:$0x3FDB];
	s0 =	simm.s32 @p2 $0x1  }
0x17: {  	s4 =	simm.s32 $0x1BF5;
	[smem:$0x3FBB] =	sst s0  }
0x18: {  	s0 =	sld [smem:$0x3F9E];
	_ =	swait.ge [sflag:s4], $0x0  }
0x19: {  	s7 =	sld [smem:$0x3F9F]  }
0x1a: {  	s8 =	sadd.s32 $0xFFFFE003, lr  }
0x1b: {  	s9 =	sadd.s32 $0xFFFFFEF7, lr;
	s5 =	simm.s32 $0xFFFFFFFF;
	p2 =	slt.u32 s8, $0xFFFFF086  }
0x1c: {  	p1 =	slt.u32 s9, $0xF7A;
	s5 =	simm.s32 @!p2 $0x0  }
0x1d: {  	s5 =	simm.s32 @p1 $0x1;
	p0 =	seq.s32 s7, s2  }
0x1e: {  	s7 =	smul.u32 @!p0 $0xF7A, s2;
	p2 =	seq.s32 @!p0 s5, $0x0  }
0x1f: {  	s9 =	smul.u32 $0xF7A, s1;
	s8 =	simm.s32 @!p0 $0x1BF5;
	p2 =	por !p2, p0  }
0x20: {  	[sflag:s8] =	ssyncset.s32 @!p0 $0xFFFFF086;
	s6 =	sadd.s32 @!p0 s3, s7;
	s7 =	simm.s32 @!p0 $0x108  }
0x21: {  	s3 =	sadd.s32 s3, s9;
	s6 =	sadd.s32 @!p0 $0x88, s6;
	s7 =	simm.s32 @p2 $0x1082  }
0x22: {  	[simem:s7], [sflag:s8] =	dma.local @!p0 [hbm:s6], $0xF7A  }
0x23: {  	s9 =	sor.u32 $0xD0000000, s2;
	s6 =	simm.s32 $0x108;
	_ =	swait.ge @!p0 [sflag:s8], $0x0  }
0x24: {  	s3 =	sadd.s32 $0x88, s3;
	s6 =	simm.s32 @!p1 $0x1082;
	[sflag:s4] =	ssyncset.s32 $0xFFFFF086  }
0x25: {  	[simem:s6], [sflag:s4] =	dma.local [hbm:s3], $0xF7A  }
0x26: {  	[smem:$0x3F9F] =	sst s1;
	(tag) =	ssettag s2;
	_ =	strace s9  }
0x27: {  	s1 =	sld [smem:$0x3FAF]  }
0x28: {  	s2 =	sld [smem:$0x3FB0]  }
0x29: {  	s4 =	sld [smem:$0x3FB2]  }
0x2a: {  	p0 =	seq.s32 s5, $0x0;
	s5 =	sld [smem:$0x3FB3]  }
0x2b: {  	s6 =	sld [smem:$0x3FB4]  }
0x2c: {  	s7 =	sld [smem:$0x3FB5]  }
0x2d: {  	s3 =	simm.s32 $0x108;
	s8 =	sld [smem:$0x3FB6]  }
0x2e: {  	s3 =	simm.s32 @!p0 $0x1082;
	s9 =	sld [smem:$0x3FB7]  }
0x2f: {  	lr =	sadd.s32 s0, s3;
	s0 =	sld [smem:$0x3FAE]  }
0x30: {  	s3 =	sld [smem:$0x3FB1]  }
0x31: {  	[smem:$0x3FBA] =	sst s10  }
0x32: {  	s10 =	sld [smem:$0x3FB8];
	_ =	sdelay $0x3  }
0x33: {  	p0 =	seq.s32 s10, $0x1;
	s10 =	sld [smem:$0x3FBA];
	_ =	sdelay $0x3  }
0x34: {  	[smem:$0x3FBA] =	sst s10  }
0x35: {  	s10 =	sld [smem:$0x3FB9];
	_ =	sdelay $0x3  }
0x36: {  	p1 =	seq.s32 s10, $0x1;
	s10 =	sld [smem:$0x3FBA];
	_ =	sdelay $0x3  }
0x37: {  	[smem:$0x3FBA] =	sst s10  }
0x38: {  	s10 =	sld [smem:$0x3FBB]  }
0x39: {  	_ = 	snop;
	(pc) =	sbr.ind lr, $3  }
0x3a: {  	_ = 	snop  }
0x3b: {  	_ = 	snop  }
0x3c: {  	p2 =	seq.s32 s10, $0x1;
	s10 =	sld [smem:$0x3FBA]  }
0x3d: {  	_ =	shalt  }
0x3e: {  	_ =	shalt  }
0x3f: {  	_ =	shalt  }
0x40: {  	_ =	shalt  }
0x41: {  	_ =	shalt  }
0x42: {  	_ =	shalt  }
0x43: {  	_ =	shalt  }
0x44: {  	_ =	shalt  }
0x45: {  	_ =	shalt  }
0x46: {  	_ =	shalt  }
0x47: {  	_ =	shalt  }
0x48: {  	_ =	shalt  }
0x49: {  	_ =	shalt  }
0x4a: {  	_ =	shalt  }
0x4b: {  	_ =	shalt  }
0x4c: {  	_ =	shalt  }
0x4d: {  	_ =	shalt  }
0x4e: {  	_ =	shalt  }
0x4f: {  	_ =	shalt  }
0x50: {  	_ =	shalt  }
0x51: {  	_ =	shalt  }
0x52: {  	_ =	shalt  }
0x53: {  	_ =	shalt  }
0x54: {  	_ =	shalt  }
0x55: {  	_ =	shalt  }
0x56: {  	_ =	shalt  }
0x57: {  	_ =	shalt  }
0x58: {  	_ =	shalt  }
0x59: {  	_ =	shalt  }
0x5a: {  	_ =	shalt  }
0x5b: {  	_ =	shalt  }
0x5c: {  	_ =	shalt  }
0x5d: {  	_ =	shalt  }
0x5e: {  	_ =	shalt  }
0x5f: {  	_ =	shalt  }
0x60: {  	_ =	shalt  }
0x61: {  	_ =	shalt  }
0x62: {  	_ =	shalt  }
0x63: {  	_ =	shalt  }
0x64: {  	_ =	shalt  }
0x65: {  	_ =	shalt  }
0x66: {  	_ =	shalt  }
0x67: {  	_ =	shalt  }
0x68: {  	_ =	shalt  }
0x69: {  	_ =	shalt  }
0x6a: {  	_ =	shalt  }
0x6b: {  	_ =	shalt  }
0x6c: {  	_ =	shalt  }
0x6d: {  	_ =	shalt  }
0x6e: {  	_ =	shalt  }
0x6f: {  	_ =	shalt  }
0x70: {  	_ =	shalt  }
0x71: {  	_ =	shalt  }
0x72: {  	_ =	shalt  }
0x73: {  	_ =	shalt  }
0x74: {  	_ =	shalt  }
0x75: {  	_ =	shalt  }
0x76: {  	_ =	shalt  }
0x77: {  	_ =	shalt  }
0x78: {  	_ =	shalt  }
0x79: {  	_ =	shalt  }
0x7a: {  	_ =	shalt  }
0x7b: {  	_ =	shalt  }
0x7c: {  	_ =	shalt  }
0x7d: {  	_ =	shalt  }
0x7e: {  	_ =	shalt  }
0x7f: {  	_ =	shalt  }
0x80: {  	_ =	shalt  }
0x81: {  	_ =	shalt  }
0x82: {  	_ =	shalt  }
0x83: {  	_ =	shalt  }
0x84: {  	_ =	shalt  }
0x85: {  	_ =	shalt  }
0x86: {  	_ =	shalt  }
0x87: {  	_ =	shalt  }
.Lfunc_end0:
.L_simem_size_0:
called_computation_lowered:
.L_overlay_start_0:
0x88: {  	s2 =	sld [smem:$0x3FD9]  }
0x89: {  	s3 =	sld [smem:$0x3FFE];
	_ =	sdelay $0x1  }
0x8a: {  	s1 =	srdreg.scid  }
0x8b: {  	s0 =	sand.u32 $0x1, s1  }
0x8c: {  	s15 =	sshll.u32 s0, $0xA;
	s2 =	sadd.s32 s3, s2  }
0x8d: {  	s2 =	sadd.s32 s2, s15  }
0x8e: {  	[smem:$0x3FC6] =	sst s2  }
0x8f: {  	_ = 	snop  }
0x90: {  	s2 =	sld [smem:$0x3FD0];
	_ =	sdelay $0x1  }
0x91: {  	s16 =	sld [smem:$0x3FC9]  }
0x92: {  	s5 =	simm.s32 $0xA;
	s6 =	simm.s32 $0x10;
	s4 =	sld [smem:$0x3FC8]  }
0x93: {  	[smem:s6], [sflag:s5] =	dma.local [hbm:s2], $0x1  }
0x94: {  	_ =	swait.eq [sflag:s5], $0x1  }
0x95: {  	[sflag:s5] =	ssyncset.done $0x0  }
0x96: {  	s17 =	sld [smem:$0x10];
	[sflag:s5] =	ssyncadd.s32 $0xFFFFFFFF  }
0x97: {  	s18 =	sld [smem:$0x11];
	(tm) =	ssettm $0x1  }
0x98: {  	s19 =	sld [smem:$0x3FFB];
	_ =	sdelay $0x3  }
0x99: {  	_ =	strace s19  }
0x9a: {  	s6 =	sld [smem:$0x3FFC];
	_ =	sdelay $0x3  }
0x9b: {  	_ =	strace s6  }
0x9c: {  	s6 =	sld [smem:$0x3FFD];
	_ =	sdelay $0x3  }
0x9d: {  	_ =	strace s6  }
0x9e: {  	_ =	strace $0x8FFFFFFF  }
0x9f: {  	s20 =	sld [smem:$0x3FDB];
	_ =	sdelay $0x1  }
0xa0: {  	s7 =	simm.s32 $_scs_section_size  }
0xa1: {  	s8 =	simm.s32 $_size__tile_overlayer_lowered;
	s9 =	simm.s32 $_tile_overlayer_lowered  }
0xa2: {  	s23 =	simm.s32 $0x1BFF;
	s22 =	sshll.u32 s9, $0x1;
	s6 =	sadd.s32 s7, s20  }
0xa3: {  	s10 =	simm.s32 $0x0;
	s21 =	sshll.u32 s8, $0x1;
	s8 =	sadd.s32 s22, s6  }
0xa4: {  	[timem:s10], [sflag:s23] =	dma.local [hbm:s8], s21  }
0xa5: {  	_ =	swait.ge [sflag:s23], s21  }
0xa6: {  	s7 =	ssub.s32 $0x0, s21;
	[sflag:s23] =	ssyncset.done $0x0  }
0xa7: {  	[sflag:s23] =	ssyncadd.s32 s7;
	_ =	sdelay $0x1  }
0xa8: {  	s24 =	simm.s32 $0x1B8B  }
0xa9: {  	_ =	swait.ge [sflag:s24], $0x1  }
0xaa: {  	[sflag:s24] =	ssyncset.done $0x0  }
0xab: {  	s25 =	simm.s32 $0x1B8E;
	[sflag:s24] =	ssyncadd.s32 $0xFFFFFFFF  }
0xac: {  	s26 =	simm.s32 $execute0_lowered;
	[smem:$0x3FD2] =	sst s25  }
0xad: {  	s7 =	sshll.u32 s26, $0x1;
	_ =	strace $0x80000046;
	[dreg:$0x1] =	wrdreg $0xFFFFFFFF  }
0xae: {  	s28 =	simm.s32 $_size_execute0_lowered;
	s6 =	sadd.s32 s6, s7;
	[dreg:$0x0] =	wrdreg $0x0  }
0xaf: {  	s7 =	sshll.u32 s28, $0x1;
	[dreg:$0x2] =	wrdreg s6  }
0xb0: {  	[dreg:$0x3] =	wrdreg s7  }
0xb1: {  	[dreg:$0x4] =	wrdreg $0xC0  }
0xb2: {  	_ =	task [dreg:s10], $0x5FFFF  }
0xb3: {  	[dreg:$0x1] =	wrdreg $0xFFFFFFFF  }
0xb4: {  	[dreg:$0x0] =	wrdreg $0x60  }
0xb5: {  	[dreg:$0x2] =	wrdreg s16  }
0xb6: {  	[dreg:$0x3] =	wrdreg s4  }
0xb7: {  	[dreg:$0x4] =	wrdreg s17  }
0xb8: {  	[dreg:$0x5] =	wrdreg s18  }
0xb9: {  	[dreg:$0x6] =	wrdreg $0x9  }
0xba: {  	_ =	task.clear_ibuf [dreg:s10], $0x7FFFF;
	_ =	strace $0x90000046  }
0xbb: {  	s29 =	simm.s32 $0x9;
	_ =	strace $0x80000048  }
0xbc: {  	_ =	swait.ge [sflag:s29], $0x1  }
0xbd: {  	[sflag:s29] =	ssyncadd.s32 $0xFFFFFFFF  }
0xbe: {  	_ =	strace $0x90000048  }
0xbf: {  	_ =	sfence  }
0xc0: {  	s30 =	sld [smem:$0x0];
	_ =	sdelay $0x2  }
0xc1: {  	s31 =	sshll.u32 s1, $0xD;
	s1 =	sshrl.u32 s1, $0x2  }
0xc2: {  	s3 =	sand.u32 $0x4000, s31;
	s1 =	sadd.s32 s1, s30  }
0xc3: {  	s0 =	sor.u32 s3, s0;
	s1 =	sshll.u32 s1, $0x11  }
0xc4: {  	s0 =	sor.u32 s1, s0  }
0xc5: {  	s0 =	sadd.s32 $0x8F2B, s0  }
0xc6: {  	[sflag:s0] =	ssyncadd.remote.s32 $0x1  }
0xc7: {  	_ =	sfence.sel $0xFFFF  }
0xc8: {  	[dreg:$0x0] =	wrdreg $0xFFFFFFFF;
	(pc) =	sbr.abs _section_cstart, $3  }
0xc9: {  	[dreg:$0x1] =	wrdreg $0xFFFFFFFF  }
0xca: {  	_ =	task.clear_ibuf [dreg:s10], $0x2FFFF;
	_ =	strace $0x9FFFFFFF  }
0xcb: {  	(tm) =	ssettm $0x7FFFFFFF  }
tec
execute0_lowered:
.L_overlay_start_1:
0x0: {  	(tag) =	ssettag $0x1  }
0x1: {  	s1 =	rddreg [dreg:$0x0]  }
0x2: {  	s2 =	rddreg [dreg:$0x1]  }
0x3: {  	s0 =	srdreg.scid;
	s4 =	rddreg [dreg:$0x2]  }
0x4: {  	s12 =	stileid.u32;
	s6 =	rddreg [dreg:$0x3]  }
0x5: {  	s7 =	simm.s32 $0x0;
	s18 =	simm.s32 $0x3200;
	s20 =	simm.s32 $0x6400  }
0x6: {  	s31 =	simm.s32 $0x15E00;
	s0 =	sand.u32 $0x1, s0;
	s3 =	sshll.u32 s12, $0x1  }
0x7: {  	s30 =	simm.s32 $0x3;
	[smem:$0x7FF] =	sst s7;
	s13 =	sor.u32 s0, s3  }
0x8: {  	p0 =	slt.u32 s12, $0xD;
	s0 =	ssub.s32 $0x2, s0;
	s3 =	smul.u32 $0x640, s13  }
0x9: {  	_ =	strace $0x80000047;
	s5 =	smul.u32 $0x320, s13;
	s8 =	sor.u32 $0x20, s13  }
0xa: {  	s10 =	sshrl.u32 s0, $0x1;
	s26 =	sor.u32 $0x80, s13;
	[dreg:$0x5] =	wrdreg s13  }
0xb: {  	s11 =	smul.u32 $0x3200, s13;
	s28 =	sor.u32 $0xA0, s13;
	[dreg:$0xb] =	wrdreg s26  }
0xc: {  	s29 =	sor.u32 $0xC0, s13;
	s9 =	smul.u32 $0x640, s8;
	[dreg:$0xc] =	wrdreg s28  }
0xd: {  	s0 =	ssub.s32 s0, s10;
	[dreg:$0xd] =	wrdreg s29;
	s3 =	sadd.s32 s1, s3  }
0xe: {  	s8 =	smul.u32 $0x320, s8;
	s22 =	sadd.s32 s2, s5;
	[dreg:$0x6] =	wrdreg s3  }
.Ltmp0:
0xf: {  	s0 =	smax.u32 s0, $0x1;
	[dreg:$0x7] =	wrdreg s22;
	(pc) =	sbr.rel .LBB2_1-.Ltmp0, $4  }
0x10: {  	v0 =	vlaneseq.u32;
	s23 =	sshrl.u32 s11, $0x3;
	s24 =	sadd.s32 s1, s9;
	[dreg:$0xe] =	wrdreg s0  }
0x11: {  	v0 =	vmul.u32 $0x2, v0;
	s25 =	sadd.s32 s2, s8;
	s3 =	sadd.s32 s1, s23;
	[dreg:$0x8] =	wrdreg s24  }
0x12: {  	p1 =	sgt.u32 s12, $0xC;
	[dreg:$0x9] =	wrdreg s25;
	s3 =	sadd.s32 $0x19000, s3  }
0x13: {  	v1 =	vor.u32 $0x60, v0;
	s5 =	simm.s32 $0x0;
	s9 =	simm.s32 $0x9600;
	[dreg:$0xa] =	wrdreg s3  }
.LBB2_21:
0x14: {  	s0 =	simm.s32 @!p0 $0x8  }
0x15: {  	_ =	swait.ge @!p0 [sflag:s0], $0x1900  }
0x16: {  	[sflag:s0] =	ssyncset.done @!p0 $0x0  }
0x17: {  	[sflag:s0] =	ssyncadd.s32 @!p0 $0xFFFFE700;
	s0 =	simm.s32 @!p0 $0x10  }
0x18: {  	_ =	swait.ge @!p0 [sflag:s0], $0x1900  }
0x19: {  	[sflag:s0] =	ssyncset.done @!p0 $0x0  }
0x1a: {  	s23 =	simm.s32 $0x5;
	[sflag:s0] =	ssyncadd.s32 @!p0 $0xFFFFE700  }
0x1b: {  	_ =	swait.ge [sflag:s23], $0x1900  }
0x1c: {  	[sflag:s23] =	ssyncset.done $0x0  }
0x1d: {  	s24 =	simm.s32 $0xD;
	[sflag:s23] =	ssyncadd.s32 $0xFFFFE700  }
0x1e: {  	_ =	swait.ge [sflag:s24], $0x1900  }
0x1f: {  	[sflag:s24] =	ssyncset.done $0x0  }
0x20: {  	s25 =	simm.s32 $0x6;
	[sflag:s24] =	ssyncadd.s32 $0xFFFFE700  }
0x21: {  	_ =	swait.ge [sflag:s25], $0x1900  }
0x22: {  	[sflag:s25] =	ssyncset.done $0x0  }
0x23: {  	s26 =	simm.s32 $0xE;
	[sflag:s25] =	ssyncadd.s32 $0xFFFFE700  }
0x24: {  	_ =	swait.ge [sflag:s26], $0x1900  }
0x25: {  	[sflag:s26] =	ssyncset.done $0x0  }
0x26: {  	s28 =	simm.s32 $0x7;
	[sflag:s26] =	ssyncadd.s32 $0xFFFFE700  }
0x27: {  	_ =	swait.ge [sflag:s28], $0x1900  }
0x28: {  	[sflag:s28] =	ssyncset.done $0x0  }
0x29: {  	s29 =	simm.s32 $0xF;
	[sflag:s28] =	ssyncadd.s32 $0xFFFFE700  }
0x2a: {  	_ =	swait.ge [sflag:s29], $0x1900  }
0x2b: {  	[sflag:s29] =	ssyncset.done $0x0  }
0x2c: {  	s0 =	simm.s32 @!p1 $0x8;
	[sflag:s29] =	ssyncadd.s32 $0xFFFFE700  }
0x2d: {  	_ =	swait.ge @!p1 [sflag:s0], $0x1900  }
0x2e: {  	[sflag:s0] =	ssyncset.done @!p1 $0x0  }
0x2f: {  	[sflag:s0] =	ssyncadd.s32 @!p1 $0xFFFFE700;
	s0 =	simm.s32 @!p1 $0x10  }
0x30: {  	_ =	swait.ge @!p1 [sflag:s0], $0x1900  }
0x31: {  	s5 =	rddreg [dreg:$0xf]  }
0x32: {  	s3 =	rddreg [dreg:$0xe];
	s5 =	sadd.s32 $0x1, s5  }
0x33: {  	p2 =	sne.s32 s5, s3  }
.Ltmp1:
0x34: {  	_ = 	snop;
	(pc) =	sbr.rel @!p2 .LBB2_22-.Ltmp1, $3  }
0x35: {  	_ =	sdelay $0x1  }
0x36: {  	[sflag:s0] =	ssyncset.done @!p1 $0x0  }
0x37: {  	[sflag:s0] =	ssyncadd.s32 @!p1 $0xFFFFE700  }
.LBB2_1:
0x38: {  	s0 =	rddreg [dreg:$0x6]  }
0x39: {  	[tilespmem:s7], [sflag:$0x1] =	stream.linear.gather [hbm4b:s0+s7], $0x3200, $0x38;
	[tilespmem:$0x19000] =	vst v63  }
0x3a: {  	s24 =	rddreg [dreg:$0x7];
	s3 =	simm.s32 $0x12C00  }
0x3b: {  	[tilespmem:s3], [sflag:$0x9] =	stream.linear.gather [hbm4b:s24+s7], $0x1900, $0x38;
	[tilespmem:$0x19000] =	vst v63  }
0x3c: {  	s25 =	rddreg [dreg:$0x8]  }
0x3d: {  	[tilespmem:s18], [sflag:$0x2] =	stream.linear.gather [hbm4b:s25+s7], $0x3200, $0x38;
	[tilespmem:$0x19000] =	vst v63  }
.Ltmp2:
0x3e: {  	[dreg:$0xf] =	wrdreg s5;
	(pc) =	sbr.rel .LBB2_2-.Ltmp2, $4  }
0x3f: {  	s26 =	rddreg [dreg:$0x9];
	s28 =	simm.s32 $0x14500  }
0x40: {  	[tilespmem:s28], [sflag:$0xA] =	stream.linear.gather [hbm4b:s26+s7], $0x1900, $0x38;
	[tilespmem:$0x19000] =	vst v63  }
0x41: {  	s29 =	rddreg [dreg:$0xa];
	p4 =	por $0x1, $0x1;
	s16 =	simm.s32 $0x0  }
0x42: {  	[tilespmem:s20], [sflag:$0x3] =	stream.linear.gather [hbm4b:s29+s7], $0x3200, $0x38;
	[tilespmem:$0x19000] =	vst v63  }
.LBB2_20:
.Ltmp3:
0x43: {  	(pc) =	sbr.rel @!p2 .LBB2_21-.Ltmp3, $2  }
0x44: {  	_ =	sdelay $0x2  }
0x45: {  	s16 =	simm.s32 $0x80;
	p4 =	por $0x0, $0x0  }
.LBB2_2:
0x46: {  	s0 =	rddreg [dreg:$0x5]  }
0x47: {  	s0 =	sor.u32 s16, s0  }
0x48: {  	s12 =	sor.u32 $0x60, s0  }
0x49: {  	p3 =	sgt.u32 s12, $0xF9  }
0x4a: {  	s3 =	smul.u32 @!p3 $0x640, s12  }
0x4b: {  	s21 =	simm.s32 $0x30  }
0x4c: {  	s5 =	simm.s32 @!p3 $0x0;
	s8 =	simm.s32 @!p3 $0x9600;
	s3 =	sadd.s32 @!p3 s1, s3  }
0x4d: {  	[tilespmem:s8], [sflag:$0x4] =	stream.linear.gather @!p3 [hbm4b:s3+s5], $0x3200, $0x38;
	[tilespmem:$0x19000] =	vst v63  }
0x4e: {  	s13 =	simm.s32 $0x0;
	s0 =	smul.u32 $0x320, s0;
	s3 =	simm.s32 @!p4 $0xF  }
0x4f: {  	s22 =	simm.s32 $0x10;
	s23 =	simm.s32 $0x20;
	_ =	swait.ge @!p4 [sflag:s3], $0x1900  }
0x50: {  	s10 =	simm.s32 $0x9;
	s11 =	sadd.s32 $0xC800, s0;
	[sflag:s3] =	ssyncset.done @!p4 $0x0  }
0x51: {  	s17 =	simm.s32 $0x60;
	s19 =	sadd.s32 s2, s11;
	[sflag:s3] =	ssyncadd.s32 @!p4 $0xFFFFE700  }
0x52: {  	v2 =	vmov s21;
	v3 =	vmov s13;
	v4 =	vmov s22;
	[tilespmem:s31], [sflag:$0xB] =	stream.linear.gather [hbm4b:s19+s7], $0x1900, $0x38;
	[tilespmem:$0x19000] =	vst v63  }
0x53: {  	v5 =	vmov s23;
	v20 =	vmov s17;
	v3 =	vshll.u32 v3, $0x2;
	_ =	swait.ge [sflag:s10], $0x1900  }
0x54: {  	s14 =	simm.s32 $0x12C00;
	v2 =	vshll.u32 v2, $0x2;
	v6 =	vshll.u32 v5, $0x1;
	v8 =	vand.u32 $0xFFFFFF00, v3;
	[sflag:s10] =	ssyncset.done $0x0  }
0x55: {  	s25 =	simm.s32 $0x1;
	v3 =	vshll.u32 v4, $0x1;
	v9 =	vand.u32 $0xFFFFFF00, v2;
	v4 =	vshll.u32 v4, $0x2;
	s24 =	sadd.s32 s6, s0;
	[sflag:s10] =	ssyncadd.s32 $0xFFFFE700  }
0x56: {  	v6 =	vor.u32 v0, v6;
	v7 =	vbroadcast v8, $0x0;
	v3 =	vor.u32 v0, v3;
	[hbm4b:s24+s7] =	stream.linear.scatter [tilespmem:s14], [sflag:$0xD], $0x1900, $0x38;
	[tilespmem:$0x19000] =	vst v63  }
0x57: {  	v10 =	vbroadcast v9, $0x0;
	v11 =	vand.u32 $0x3F00, v4;
	v9 =	vand.u32 $0x7E, v3;
	_ =	swait.ge [sflag:s25], $0x3200  }
0x58: {  	s26 =	simm.s32 $0x70;
	v3 =	vshll.u32 v5, $0x2;
	v5 =	vand.u32 $0x7E, v6;
	v7 =	vor.u32 v0, v7;
	[sflag:s25] =	ssyncset.done $0x0  }
0x59: {  	v6 =	vmov s26;
	v4 =	vand.u32 $0x3F00, v3;
	v14 =	vor.u32 v11, v9;
	s10 =	simm.s32 @!p4 $0x5;
	s24 =	simm.s32 $0x40;
	[sflag:s25] =	ssyncadd.s32 $0xFFFFCE00  }
0x5a: {  	s15 =	simm.s32 $0x50;
	v16 =	vor.u32 v1, v10;
	v15 =	vor.u32 v4, v5;
	v12 =	vmov s24;
	_ =	swait.ge @!p4 [sflag:s10], $0x1900  }
0x5b: {  	v4 =	vshll.u32 v6, $0x2;
	v6 =	vshll.u32 v12, $0x2;
	v12 =	vmov s15;
	[sflag:s10] =	ssyncset.done @!p4 $0x0  }
0x5c: {  	p2 =	por p4, p4;
	v17 =	vshll.u32 v20, $0x1;
	v6 =	vand.u32 $0xFFFFFF00, v6;
	v10 =	vshll.u32 v12, $0x1;
	[sflag:s10] =	ssyncadd.s32 @!p4 $0xFFFFE700;
	s10 =	simm.s32 $0x0  }
0x5d: {  	s28 =	sand.u32 $0x50, s15;
	s8 =	sand.u32 $0x70, s21;
	s5 =	simm.s32 $0x4;
	v18 =	vand.u32 $0xFFFFFF00, v4;
	v10 =	vor.u32 v0, v10;
	v13 =	vld.idx.msk [tilespmem:v7+s10+$0x0], $0xffff;
	v7 =	vbroadcast v6, $0x0  }
0x5e: {  	s21 =	sand.u32 $0x40, s13;
	s13 =	simm.s32 $0x0;
	v18 =	vbroadcast v18, $0x0;
	s3 =	sand.u32 $0x50, s22;
	v12 =	vshll.u32 v12, $0x2;
	v19 =	vand.u32 $0x7E, v10;
	v14 =	vld.idx.msk [tilespmem:v14+s10+$0x0], $0xffff  }
0x5f: {  	s19 =	sand.u32 $0x60, s23;
	s31 =	sand.u32 $0x60, s17;
	v6 =	vor.u32 v0, v17;
	s29 =	sand.u32 $0x1F00, s10;
	v15 =	vld.idx.msk [tilespmem:v15+s10+$0x0], $0xffff;
	v17 =	vor.u32 v0, v7;
	v7 =	vshll.u32 v20, $0x2  }
0x60: {  	s17 =	sand.u32 $0x70, s26;
	s14 =	simm.s32 $0xB0;
	v16 =	vld.idx.msk [tilespmem:v16+s10+$0x0], $0xffff;
	v21 =	vand.u32 $0x7E, v6;
	s15 =	sadd.s32 $0xC800, s29;
	v20 =	vand.u32 $0x3F00, v12;
	v22 =	vand.u32 $0x3F00, v7  }
.LBB2_3:
0x61: {  	s5 =	sadd.s32 $0x4, s5;
	s21 =	sor.u32 s21, s15;
	s22 =	smov.u32 s24  }
0x62: {  	v23 =	vmov s14;
	v19 =	vor.u32 v20, v19;
	v20 =	vor.u32 v22, v21;
	s24 =	sadd.s32 $0xFFFFFFD0, s14;
	s23 =	smov.u32 s17;
	s17 =	sadd.s32 $0xFFFFFFE0, s14  }
0x63: {  	s25 =	sadd.s32 $0xFFFFFFF0, s14;
	s3 =	sor.u32 s3, s15;
	v21 =	vmov s24;
	v22 =	vshll.u32 v23, $0x2;
	p4 =	slt.u32 s5, $0xC4;
	v23 =	vor.u32 v1, v18;
	[tilespmem:s21+$0x0] =	vst v13  }
0x64: {  	v18 =	vmov s17;
	s21 =	sand.u32 $0x50, s17;
	s17 =	sand.u32 $0x70, s14;
	v13 =	vshll.u32 v21, $0x2;
	v21 =	vmov s25;
	s25 =	sand.u32 $0x60, s25  }
.Ltmp4:
0x65: {  	s26 =	sor.u32 s19, s15;
	s15 =	sor.u32 s8, s15;
	v25 =	vshll.u32 v18, $0x1;
	v24 =	vand.u32 $0xFFFFFF00, v13;
	v26 =	vshll.u32 v21, $0x1;
	v13 =	vld.idx.msk [tilespmem:v17+s10+$0x0], $0xffff;
	(pc) =	sbr.rel @p4 .LBB2_3-.Ltmp4, $4  }
0x66: {  	s19 =	smov.u32 s31;
	v22 =	vand.u32 $0xFFFFFF00, v22;
	v17 =	vbroadcast v24, $0x0;
	v24 =	vor.u32 v0, v25;
	[tilespmem:s3+$0x0] =	vst v14;
	s3 =	smov.u32 s28;
	s28 =	smov.u32 s21  }
0x67: {  	s13 =	sadd.s32 $0x80, s13;
	s8 =	smov.u32 s23;
	s31 =	smov.u32 s25;
	v25 =	vshll.u32 v18, $0x2;
	v26 =	vor.u32 v0, v26;
	v18 =	vbroadcast v22, $0x0;
	v14 =	vld.idx.msk [tilespmem:v19+s10+$0x0], $0xffff;
	[tilespmem:s26+$0x0] =	vst v15  }
0x68: {  	s23 =	sand.u32 $0x1F00, s13;
	v22 =	vshll.u32 v21, $0x2;
	v19 =	vand.u32 $0x7E, v24;
	v17 =	vor.u32 v0, v17;
	v15 =	vld.idx.msk [tilespmem:v20+s10+$0x0], $0xffff;
	[tilespmem:s15+$0x0] =	vst v16  }
0x69: {  	s14 =	sadd.s32 $0x40, s14;
	s21 =	sand.u32 $0x40, s22;
	v21 =	vand.u32 $0x7E, v26;
	v22 =	vand.u32 $0x3F00, v22;
	v20 =	vand.u32 $0x3F00, v25;
	s15 =	sadd.s32 $0xC800, s23;
	v16 =	vld.idx.msk [tilespmem:v23+s10+$0x0], $0xffff  }
0x6a: {  	v19 =	vor.u32 v20, v19  }
0x6b: {  	v58 =	vor.u32 v22, v21  }
0x6c: {  	v18 =	vor.u32 v1, v18;
	_ =	sdelay $0x1  }
0x6d: {  	s5 =	sor.u32 s21, s15;
	v17 =	vld.idx.msk [tilespmem:v17+s10+$0x0], $0xffff  }
0x6e: {  	s3 =	sor.u32 s3, s15;
	s13 =	sadd.s32 $0x80, s13;
	v8 =	vor.u32 $0x80, v8;
	[tilespmem:s5+$0x0] =	vst v13;
	v59 =	vld.idx.msk [tilespmem:v19+s10+$0x0], $0xffff  }
0x6f: {  	s14 =	sor.u32 s19, s15;
	s19 =	sand.u32 $0x1F00, s13;
	v8 =	vbroadcast v8, $0x0;
	[tilespmem:s3+$0x0] =	vst v14;
	v60 =	vld.idx.msk [tilespmem:v58+s10+$0x0], $0xffff  }
0x70: {  	s21 =	sor.u32 s8, s15;
	s22 =	sand.u32 $0x40, s24;
	s3 =	sadd.s32 $0xC800, s19;
	[tilespmem:s14+$0x0] =	vst v15;
	v61 =	vld.idx.msk [tilespmem:v18+s10+$0x0], $0xffff  }
0x71: {  	v9 =	vor.u32 v9, v11;
	s23 =	sor.u32 s22, s3;
	v8 =	vor.u32 v0, v8;
	[tilespmem:s21+$0x0] =	vst v16  }
0x72: {  	v2 =	vand.u32 $0xFFFFFF80, v2;
	s24 =	simm.s32 $0x40;
	v9 =	vor.u32 $0x80, v9;
	s25 =	sor.u32 s28, s3;
	[tilespmem:s23+$0x0] =	vst v17  }
0x73: {  	v5 =	vor.u32 v3, v5;
	v2 =	vbroadcast v2, $0x0;
	v11 =	vmov s24;
	s26 =	sor.u32 s31, s3;
	[tilespmem:s25+$0x0] =	vst v59  }
0x74: {  	s29 =	sand.u32 $0x3, s10;
	v3 =	vshll.u32 v11, $0x2;
	s3 =	sor.u32 s17, s3;
	[tilespmem:s26+$0x0] =	vst v60  }
0x75: {  	p4 =	por $0x0, $0x0;
	s5 =	simm.s32 $0x1;
	s8 =	sshll.u32 s29, $0x5;
	v11 =	vor.u32 v1, v2;
	v2 =	vand.u32 $0xFFFFFF00, v3;
	[tilespmem:s3+$0x0] =	vst v61  }
0x76: {  	s24 =	simm.s32 $0x20;
	s5 =	simm.s32 @!p4 $0x0;
	s8 =	sadd.s32 $0x20, s8;
	v2 =	vor.u32 $0x80, v2;
	v3 =	vld.idx.msk [tilespmem:v8+s7+$0x0], $0xffff  }
0x77: {  	v4 =	vand.u32 $0xFFFFFF80, v4;
	s17 =	simm.s32 $0x4;
	s28 =	sand.u32 $0x7, s10;
	s5 =	sshll.u32 s5, $0x6;
	v62 =	vbroadcast v2, $0x0;
	v2 =	vld.idx.msk [tilespmem:v9+s7+$0x0], $0xffff  }
0x78: {  	v63 =	vbroadcast v4, $0x0;
	s13 =	sor.u32 $0x80, s8;
	s8 =	simm.s32 $0xB0;
	s3 =	sshll.u32 s28, $0x4;
	v9 =	vand.u32 $0x7E, v10;
	v10 =	vand.u32 $0x3F00, v12;
	v8 =	vld.idx.msk [tilespmem:v5+s7+$0x0], $0xffff  }
0x79: {  	v6 =	vand.u32 $0x7E, v6;
	s31 =	sadd.s32 $0x0, s5;
	s5 =	simm.s32 $0x0;
	s14 =	sadd.s32 $0x0, s3;
	v5 =	vor.u32 v9, v10;
	v10 =	vor.u32 v0, v62  }
0x7a: {  	v6 =	vor.u32 v7, v6;
	s15 =	sor.u32 $0x80, s31;
	v4 =	vld.idx.msk [tilespmem:v11+s7+$0x0], $0xffff;
	s3 =	simm.s32 $0x0;
	s19 =	sadd.s32 $0x10, s14;
	v9 =	vor.u32 $0x80, v5;
	v5 =	vor.u32 v1, v63  }
.LBB2_5:
0x7b: {  	s21 =	sadd.s32 $0xFFFFFFD0, s8;
	s22 =	sadd.s32 $0xFFFFFFE0, s8;
	v7 =	vmov s8;
	s17 =	sadd.s32 $0x4, s17;
	[tilespmem:s15+$0xC800] =	vst v3  }
0x7c: {  	s15 =	sadd.s32 $0xFFFFFFF0, s8;
	s14 =	sadd.s32 $0x30, s14;
	v3 =	vmov s21;
	v11 =	vmov s22;
	v7 =	vshll.u32 v7, $0x2;
	p5 =	slt.u32 s17, $0xC4  }
0x7d: {  	s10 =	sadd.s32 $0x4, s10;
	v13 =	vmov s15;
	s15 =	sor.u32 $0x80, s19;
	v3 =	vshll.u32 v3, $0x2;
	v12 =	vshll.u32 v11, $0x1;
	[tilespmem:s13+$0xC800] =	vst v8;
	s13 =	sor.u32 $0x80, s14  }
0x7e: {  	s24 =	sadd.s32 $0x80, s24;
	s5 =	sadd.s32 $0x2, s5;
	v11 =	vshll.u32 v11, $0x2;
	s14 =	sand.u32 $0x7, s10;
	v8 =	vand.u32 $0xFFFFFF00, v3;
	v12 =	vor.u32 v0, v12;
	v3 =	vld.idx.msk [tilespmem:v10+s7+$0x0], $0xffff;
	[tilespmem:s15+$0xC800] =	vst v2  }
0x7f: {  	p4 =	por !p4, !p4;
	s15 =	sand.u32 $0x3, s5;
	[tilespmem:s13+$0xC800] =	vst v4;
	s13 =	sshll.u32 s14, $0x4  }
.Ltmp5:
0x80: {  	v7 =	vand.u32 $0xFFFFFF80, v7;
	v10 =	vshll.u32 v13, $0x1;
	v8 =	vor.u32 $0x80, v8;
	v2 =	vld.idx.msk [tilespmem:v9+s7+$0x0], $0xffff;
	s14 =	sshll.u32 s15, $0x5;
	s15 =	simm.s32 $0x1;
	(pc) =	sbr.rel @p5 .LBB2_5-.Ltmp5, $4  }
0x81: {  	v11 =	vand.u32 $0x3F00, v11;
	v4 =	vand.u32 $0x7E, v12;
	v9 =	vbroadcast v8, $0x0;
	s15 =	simm.s32 @!p4 $0x0;
	v8 =	vld.idx.msk [tilespmem:v6+s7+$0x0], $0xffff  }
0x82: {  	s3 =	sadd.s32 $0x80, s3;
	v7 =	vbroadcast v7, $0x0;
	v6 =	vor.u32 v4, v11;
	v11 =	vor.u32 v0, v10;
	s19 =	sadd.s32 s14, s24;
	s15 =	sshll.u32 s15, $0x6;
	v4 =	vld.idx.msk [tilespmem:v5+s7+$0x0], $0xffff  }
0x83: {  	s14 =	sadd.s32 s13, s3;
	v5 =	vand.u32 $0x7E, v11;
	v11 =	vshll.u32 v13, $0x2;
	s13 =	sor.u32 $0x80, s19;
	v10 =	vor.u32 v0, v9;
	s15 =	sadd.s32 s15, s3  }
0x84: {  	s8 =	sadd.s32 $0x40, s8;
	s19 =	sadd.s32 $0x10, s14;
	v9 =	vor.u32 $0x80, v6;
	v6 =	vor.u32 v11, v5;
	v5 =	vor.u32 v1, v7;
	s15 =	sor.u32 $0x80, s15  }
0x85: {  	_ =	sdelay $0x2  }
0x86: {  	s8 =	sadd.s32 $0x30, s14;
	s23 =	sor.u32 $0x80, s19  }
0x87: {  	s10 =	sadd.s32 $0x4, s10;
	v7 =	vld.idx.msk [tilespmem:v10+s7+$0x0], $0xffff;
	p4 =	por !p4, !p4;
	s19 =	simm.s32 $0x1  }
0x88: {  	s17 =	sadd.s32 $0x80, s24;
	[tilespmem:s15+$0xC800] =	vst v3;
	s5 =	sadd.s32 $0x2, s5;
	v3 =	vld.idx.msk [tilespmem:v6+s7+$0x0], $0xffff;
	s19 =	simm.s32 @!p4 $0x0  }
0x89: {  	s3 =	sadd.s32 $0x80, s3;
	[tilespmem:s13+$0xC800] =	vst v8;
	s5 =	sand.u32 $0x3, s5;
	s25 =	sshll.u32 s19, $0x6  }
0x8a: {  	s8 =	sor.u32 $0x80, s8;
	[tilespmem:s23+$0xC800] =	vst v2;
	s5 =	sshll.u32 s5, $0x5;
	s13 =	sadd.s32 s25, s3  }
0x8b: {  	v6 =	vld.idx.msk [tilespmem:v9+s7+$0x0], $0xffff;
	s10 =	sand.u32 $0x7, s10;
	[tilespmem:s8+$0xC800] =	vst v4;
	s5 =	sadd.s32 s5, s17;
	s26 =	sor.u32 $0x80, s13  }
0x8c: {  	v2 =	vld.idx.msk [tilespmem:v5+s7+$0x0], $0xffff;
	s10 =	sshll.u32 s10, $0x4;
	s5 =	sor.u32 $0x80, s5;
	[tilespmem:s26+$0xC800] =	vst v7  }
0x8d: {  	s3 =	sadd.s32 s10, s3;
	[tilespmem:s5+$0xC800] =	vst v3  }
0x8e: {  	s14 =	simm.s32 $0xC800;
	s10 =	sadd.s32 $0x10, s3;
	s5 =	rddreg [dreg:$0xb]  }
0x8f: {  	s3 =	sadd.s32 $0x30, s3;
	s29 =	sor.u32 $0x80, s10;
	s10 =	sadd.s32 s5, s16  }
0x90: {  	p5 =	por p2, p3;
	s3 =	sor.u32 $0x80, s3;
	[tilespmem:s29+$0xC800] =	vst v6;
	p4 =	sgt.u32 s10, $0xF9  }
0x91: {  	s15 =	simm.s32 $0x30;
	s13 =	sadd.s32 s4, s0;
	[tilespmem:s3+$0xC800] =	vst v2;
	s5 =	smul.u32 @!p4 $0x640, s10  }
0x92: {  	[hbm4b:s13+s7] =	stream.linear.scatter [tilespmem:s14], [sflag:$0x5], $0x1900, $0x38;
	[tilespmem:$0x19000] =	vst v63  }
0x93: {  	s21 =	simm.s32 $0xA;
	s3 =	sadd.s32 @!p4 s1, s5;
	s5 =	simm.s32 @!p4 $0x0  }
0x94: {  	[tilespmem:s5], [sflag:$0x1] =	stream.linear.gather @!p4 [hbm4b:s3+s5], $0x3200, $0x38;
	[tilespmem:$0x19000] =	vst v63  }
0x95: {  	s28 =	simm.s32 $0x40;
	s8 =	simm.s32 @!p3 $0x17700;
	s3 =	simm.s32 @!p5 $0x10  }
0x96: {  	s19 =	simm.s32 $0x20;
	s5 =	smul.u32 @!p3 $0x320, s12;
	_ =	swait.ge @!p5 [sflag:s3], $0x1900  }
0x97: {  	s17 =	simm.s32 $0x10;
	s14 =	simm.s32 $0x0;
	[sflag:s3] =	ssyncset.done @!p5 $0x0  }
0x98: {  	[sflag:s3] =	ssyncadd.s32 @!p5 $0xFFFFE700;
	s3 =	sadd.s32 @!p3 s2, s5;
	s5 =	simm.s32 @!p3 $0x0  }
0x99: {  	v12 =	vmov s28;
	v5 =	vmov s19;
	v4 =	vmov s17;
	[tilespmem:s8], [sflag:$0xC] =	stream.linear.gather @!p3 [hbm4b:s3+s5], $0x1900, $0x38;
	[tilespmem:$0x19000] =	vst v63  }
0x9a: {  	s24 =	sadd.s32 $0x6400, s0;
	v2 =	vmov s15;
	v6 =	vshll.u32 v5, $0x1;
	v3 =	vmov s14;
	_ =	swait.ge [sflag:s21], $0x1900  }
0x9b: {  	s22 =	simm.s32 $0x14500;
	s29 =	simm.s32 $0x60;
	v2 =	vshll.u32 v2, $0x2;
	v6 =	vor.u32 v0, v6;
	v3 =	vshll.u32 v3, $0x2;
	[sflag:s21] =	ssyncset.done $0x0  }
0x9c: {  	s23 =	simm.s32 $0x2;
	s0 =	sadd.s32 s6, s24;
	v20 =	vmov s29;
	v9 =	vand.u32 $0xFFFFFF00, v2;
	v8 =	vand.u32 $0xFFFFFF00, v3;
	[sflag:s21] =	ssyncadd.s32 $0xFFFFE700  }
0x9d: {  	v3 =	vshll.u32 v4, $0x1;
	v4 =	vshll.u32 v4, $0x2;
	v7 =	vbroadcast v8, $0x0;
	[hbm4b:s0+s7] =	stream.linear.scatter [tilespmem:s22], [sflag:$0xE], $0x1900, $0x38;
	[tilespmem:$0x19000] =	vst v63  }
0x9e: {  	v10 =	vbroadcast v9, $0x0;
	v3 =	vor.u32 v0, v3;
	v11 =	vand.u32 $0x3F00, v4;
	_ =	swait.ge [sflag:s23], $0x3200  }
0x9f: {  	v9 =	vand.u32 $0x7E, v3;
	v3 =	vshll.u32 v5, $0x2;
	v7 =	vor.u32 v0, v7;
	[sflag:s23] =	ssyncset.done $0x0  }
0xa0: {  	s25 =	simm.s32 $0x70;
	v5 =	vand.u32 $0x7E, v6;
	v4 =	vand.u32 $0x3F00, v3;
	v14 =	vor.u32 v11, v9;
	s0 =	simm.s32 @!p2 $0x6;
	[sflag:s23] =	ssyncadd.s32 $0xFFFFCE00  }
0xa1: {  	s26 =	simm.s32 $0x50;
	v16 =	vor.u32 v1, v10;
	v6 =	vmov s25;
	v15 =	vor.u32 v4, v5;
	_ =	swait.ge @!p2 [sflag:s0], $0x1900  }
0xa2: {  	v4 =	vshll.u32 v6, $0x2;
	v6 =	vshll.u32 v12, $0x2;
	v12 =	vmov s26;
	[sflag:s0] =	ssyncset.done @!p2 $0x0  }
0xa3: {  	s31 =	sand.u32 $0x50, s26;
	v17 =	vshll.u32 v20, $0x1;
	v6 =	vand.u32 $0xFFFFFF00, v6;
	v10 =	vshll.u32 v12, $0x1;
	[sflag:s0] =	ssyncadd.s32 @!p2 $0xFFFFE700  }
0xa4: {  	s13 =	simm.s32 $0x4;
	v18 =	vand.u32 $0xFFFFFF00, v4;
	s8 =	sand.u32 $0x50, s17;
	s3 =	sand.u32 $0x60, s19;
	v10 =	vor.u32 v0, v10;
	v13 =	vld.idx.msk [tilespmem:v7+s18+$0x0], $0xffff;
	v7 =	vbroadcast v6, $0x0  }
0xa5: {  	v12 =	vshll.u32 v12, $0x2;
	s5 =	sand.u32 $0x70, s15;
	s17 =	sand.u32 $0x60, s29;
	v18 =	vbroadcast v18, $0x0;
	v19 =	vand.u32 $0x7E, v10;
	s0 =	simm.s32 $0x0;
	v14 =	vld.idx.msk [tilespmem:v14+s18+$0x0], $0xffff  }
0xa6: {  	s19 =	sand.u32 $0x70, s25;
	s15 =	simm.s32 $0xB0;
	v6 =	vor.u32 v0, v17;
	s21 =	sand.u32 $0x1F00, s0;
	v15 =	vld.idx.msk [tilespmem:v15+s18+$0x0], $0xffff;
	v17 =	vor.u32 v0, v7;
	v7 =	vshll.u32 v20, $0x2  }
0xa7: {  	s22 =	sand.u32 $0x40, s14;
	s14 =	simm.s32 $0x0;
	v16 =	vld.idx.msk [tilespmem:v16+s18+$0x0], $0xffff;
	v21 =	vand.u32 $0x7E, v6;
	s21 =	sadd.s32 $0xE100, s21;
	v20 =	vand.u32 $0x3F00, v12;
	v22 =	vand.u32 $0x3F00, v7  }
.LBB2_7:
0xa8: {  	s13 =	sadd.s32 $0x4, s13;
	s22 =	sor.u32 s22, s21;
	s23 =	smov.u32 s28  }
0xa9: {  	v23 =	vmov s15;
	v19 =	vor.u32 v20, v19;
	v20 =	vor.u32 v22, v21;
	s28 =	sadd.s32 $0xFFFFFFD0, s15;
	s25 =	smov.u32 s19;
	s19 =	sadd.s32 $0xFFFFFFE0, s15  }
0xaa: {  	s26 =	sadd.s32 $0xFFFFFFF0, s15;
	s8 =	sor.u32 s8, s21;
	v21 =	vmov s28;
	v22 =	vshll.u32 v23, $0x2;
	p5 =	slt.u32 s13, $0xC4;
	v23 =	vor.u32 v1, v18;
	[tilespmem:s22+$0x0] =	vst v13  }
0xab: {  	v18 =	vmov s19;
	s22 =	sand.u32 $0x50, s19;
	s19 =	sand.u32 $0x70, s15;
	v13 =	vshll.u32 v21, $0x2;
	v21 =	vmov s26;
	s26 =	sand.u32 $0x60, s26  }
.Ltmp6:
0xac: {  	s29 =	sor.u32 s3, s21;
	s21 =	sor.u32 s5, s21;
	v25 =	vshll.u32 v18, $0x1;
	v24 =	vand.u32 $0xFFFFFF00, v13;
	v26 =	vshll.u32 v21, $0x1;
	v13 =	vld.idx.msk [tilespmem:v17+s18+$0x0], $0xffff;
	(pc) =	sbr.rel @p5 .LBB2_7-.Ltmp6, $4  }
0xad: {  	s3 =	smov.u32 s17;
	v22 =	vand.u32 $0xFFFFFF00, v22;
	v17 =	vbroadcast v24, $0x0;
	v24 =	vor.u32 v0, v25;
	[tilespmem:s8+$0x0] =	vst v14;
	s8 =	smov.u32 s31;
	s31 =	smov.u32 s22  }
0xae: {  	s14 =	sadd.s32 $0x80, s14;
	s5 =	smov.u32 s25;
	s17 =	smov.u32 s26;
	v25 =	vshll.u32 v18, $0x2;
	v26 =	vor.u32 v0, v26;
	v18 =	vbroadcast v22, $0x0;
	v14 =	vld.idx.msk [tilespmem:v19+s18+$0x0], $0xffff;
	[tilespmem:s29+$0x0] =	vst v15  }
0xaf: {  	s25 =	sand.u32 $0x1F00, s14;
	v22 =	vshll.u32 v21, $0x2;
	v19 =	vand.u32 $0x7E, v24;
	v17 =	vor.u32 v0, v17;
	v15 =	vld.idx.msk [tilespmem:v20+s18+$0x0], $0xffff;
	[tilespmem:s21+$0x0] =	vst v16  }
0xb0: {  	s15 =	sadd.s32 $0x40, s15;
	s22 =	sand.u32 $0x40, s23;
	v21 =	vand.u32 $0x7E, v26;
	v22 =	vand.u32 $0x3F00, v22;
	v20 =	vand.u32 $0x3F00, v25;
	s21 =	sadd.s32 $0xE100, s25;
	v16 =	vld.idx.msk [tilespmem:v23+s18+$0x0], $0xffff  }
0xb1: {  	v19 =	vor.u32 v20, v19  }
0xb2: {  	v58 =	vor.u32 v22, v21  }
0xb3: {  	v18 =	vor.u32 v1, v18;
	_ =	sdelay $0x1  }
0xb4: {  	s13 =	sor.u32 s22, s21;
	v17 =	vld.idx.msk [tilespmem:v17+s18+$0x0], $0xffff  }
0xb5: {  	s8 =	sor.u32 s8, s21;
	s29 =	sadd.s32 $0x80, s14;
	v8 =	vor.u32 $0x80, v8;
	[tilespmem:s13+$0x0] =	vst v13;
	v59 =	vld.idx.msk [tilespmem:v19+s18+$0x0], $0xffff  }
0xb6: {  	s3 =	sor.u32 s3, s21;
	s14 =	sand.u32 $0x1F00, s29;
	v8 =	vbroadcast v8, $0x0;
	[tilespmem:s8+$0x0] =	vst v14;
	v60 =	vld.idx.msk [tilespmem:v58+s18+$0x0], $0xffff  }
0xb7: {  	s5 =	sor.u32 s5, s21;
	s15 =	sand.u32 $0x40, s28;
	s8 =	sadd.s32 $0xE100, s14;
	[tilespmem:s3+$0x0] =	vst v15;
	v61 =	vld.idx.msk [tilespmem:v18+s18+$0x0], $0xffff  }
0xb8: {  	v9 =	vor.u32 v9, v11;
	s3 =	sor.u32 s15, s8;
	v8 =	vor.u32 v0, v8;
	[tilespmem:s5+$0x0] =	vst v16  }
0xb9: {  	v2 =	vand.u32 $0xFFFFFF80, v2;
	s21 =	simm.s32 $0x40;
	v9 =	vor.u32 $0x80, v9;
	s22 =	sor.u32 s31, s8;
	[tilespmem:s3+$0x0] =	vst v17  }
0xba: {  	v5 =	vor.u32 v3, v5;
	v2 =	vbroadcast v2, $0x0;
	v11 =	vmov s21;
	s23 =	sor.u32 s17, s8;
	[tilespmem:s22+$0x0] =	vst v59  }
0xbb: {  	s28 =	simm.s32 $0x20;
	v3 =	vshll.u32 v11, $0x2;
	s25 =	sor.u32 s19, s8;
	[tilespmem:s23+$0x0] =	vst v60  }
0xbc: {  	p5 =	por $0x0, $0x0;
	s26 =	sand.u32 $0x7, s0;
	s29 =	sand.u32 $0x3, s0;
	v11 =	vor.u32 v1, v2;
	v2 =	vand.u32 $0xFFFFFF00, v3;
	[tilespmem:s25+$0x0] =	vst v61  }
0xbd: {  	s17 =	simm.s32 $0x4;
	s8 =	sshll.u32 s29, $0x5;
	s5 =	simm.s32 $0x1;
	v2 =	vor.u32 $0x80, v2;
	v3 =	vld.idx.msk [tilespmem:v8+s18+$0x0], $0xffff  }
0xbe: {  	v4 =	vand.u32 $0xFFFFFF80, v4;
	s8 =	sadd.s32 $0x20, s8;
	s5 =	simm.s32 @!p5 $0x0;
	v62 =	vbroadcast v2, $0x0;
	s3 =	sshll.u32 s26, $0x4;
	v2 =	vld.idx.msk [tilespmem:v9+s18+$0x0], $0xffff  }
0xbf: {  	v63 =	vbroadcast v4, $0x0;
	s13 =	sor.u32 $0x80, s8;
	s8 =	simm.s32 $0xB0;
	s5 =	sshll.u32 s5, $0x6;
	v9 =	vand.u32 $0x7E, v10;
	v10 =	vand.u32 $0x3F00, v12;
	v8 =	vld.idx.msk [tilespmem:v5+s18+$0x0], $0xffff  }
0xc0: {  	v6 =	vand.u32 $0x7E, v6;
	s14 =	sadd.s32 $0x0, s3;
	s3 =	simm.s32 $0x0;
	s31 =	sadd.s32 $0x0, s5;
	v5 =	vor.u32 v9, v10;
	v10 =	vor.u32 v0, v62  }
0xc1: {  	v6 =	vor.u32 v7, v6;
	s19 =	sadd.s32 $0x10, s14;
	s5 =	simm.s32 $0x0;
	s15 =	sor.u32 $0x80, s31;
	v4 =	vld.idx.msk [tilespmem:v11+s18+$0x0], $0xffff;
	v9 =	vor.u32 $0x80, v5;
	v5 =	vor.u32 v1, v63  }
.LBB2_9:
0xc2: {  	s21 =	sadd.s32 $0xFFFFFFD0, s8;
	s22 =	sadd.s32 $0xFFFFFFE0, s8;
	v7 =	vmov s8;
	s17 =	sadd.s32 $0x4, s17;
	[tilespmem:s15+$0xE100] =	vst v3  }
0xc3: {  	s15 =	sadd.s32 $0xFFFFFFF0, s8;
	s14 =	sadd.s32 $0x30, s14;
	v3 =	vmov s21;
	v11 =	vmov s22;
	v7 =	vshll.u32 v7, $0x2;
	p6 =	slt.u32 s17, $0xC4  }
0xc4: {  	s0 =	sadd.s32 $0x4, s0;
	v13 =	vmov s15;
	s15 =	sor.u32 $0x80, s19;
	v3 =	vshll.u32 v3, $0x2;
	v12 =	vshll.u32 v11, $0x1;
	[tilespmem:s13+$0xE100] =	vst v8;
	s13 =	sor.u32 $0x80, s14  }
0xc5: {  	s28 =	sadd.s32 $0x80, s28;
	s5 =	sadd.s32 $0x2, s5;
	v11 =	vshll.u32 v11, $0x2;
	s14 =	sand.u32 $0x7, s0;
	v8 =	vand.u32 $0xFFFFFF00, v3;
	v12 =	vor.u32 v0, v12;
	v3 =	vld.idx.msk [tilespmem:v10+s18+$0x0], $0xffff;
	[tilespmem:s15+$0xE100] =	vst v2  }
0xc6: {  	p5 =	por !p5, !p5;
	s15 =	sand.u32 $0x3, s5;
	[tilespmem:s13+$0xE100] =	vst v4;
	s13 =	sshll.u32 s14, $0x4  }
.Ltmp7:
0xc7: {  	v7 =	vand.u32 $0xFFFFFF80, v7;
	v10 =	vshll.u32 v13, $0x1;
	v8 =	vor.u32 $0x80, v8;
	v2 =	vld.idx.msk [tilespmem:v9+s18+$0x0], $0xffff;
	s14 =	sshll.u32 s15, $0x5;
	s15 =	simm.s32 $0x1;
	(pc) =	sbr.rel @p6 .LBB2_9-.Ltmp7, $4  }
0xc8: {  	v11 =	vand.u32 $0x3F00, v11;
	v4 =	vand.u32 $0x7E, v12;
	v9 =	vbroadcast v8, $0x0;
	s15 =	simm.s32 @!p5 $0x0;
	v8 =	vld.idx.msk [tilespmem:v6+s18+$0x0], $0xffff  }
0xc9: {  	s3 =	sadd.s32 $0x80, s3;
	v7 =	vbroadcast v7, $0x0;
	v6 =	vor.u32 v4, v11;
	v11 =	vor.u32 v0, v10;
	s19 =	sadd.s32 s14, s28;
	s15 =	sshll.u32 s15, $0x6;
	v4 =	vld.idx.msk [tilespmem:v5+s18+$0x0], $0xffff  }
0xca: {  	s14 =	sadd.s32 s13, s3;
	v5 =	vand.u32 $0x7E, v11;
	v11 =	vshll.u32 v13, $0x2;
	s13 =	sor.u32 $0x80, s19;
	v10 =	vor.u32 v0, v9;
	s15 =	sadd.s32 s15, s3  }
0xcb: {  	s8 =	sadd.s32 $0x40, s8;
	s19 =	sadd.s32 $0x10, s14;
	v9 =	vor.u32 $0x80, v6;
	v6 =	vor.u32 v11, v5;
	v5 =	vor.u32 v1, v7;
	s15 =	sor.u32 $0x80, s15  }
0xcc: {  	_ =	sdelay $0x2  }
0xcd: {  	s8 =	sadd.s32 $0x30, s14;
	s23 =	sor.u32 $0x80, s19  }
0xce: {  	s0 =	sadd.s32 $0x4, s0;
	v7 =	vld.idx.msk [tilespmem:v10+s18+$0x0], $0xffff;
	p5 =	por !p5, !p5;
	s19 =	simm.s32 $0x1  }
0xcf: {  	s17 =	sadd.s32 $0x80, s28;
	[tilespmem:s15+$0xE100] =	vst v3;
	s5 =	sadd.s32 $0x2, s5;
	v3 =	vld.idx.msk [tilespmem:v6+s18+$0x0], $0xffff;
	s19 =	simm.s32 @!p5 $0x0  }
0xd0: {  	s3 =	sadd.s32 $0x80, s3;
	[tilespmem:s13+$0xE100] =	vst v8;
	s5 =	sand.u32 $0x3, s5;
	s25 =	sshll.u32 s19, $0x6  }
0xd1: {  	s8 =	sor.u32 $0x80, s8;
	[tilespmem:s23+$0xE100] =	vst v2;
	s5 =	sshll.u32 s5, $0x5;
	s13 =	sadd.s32 s25, s3  }
0xd2: {  	v6 =	vld.idx.msk [tilespmem:v9+s18+$0x0], $0xffff;
	s0 =	sand.u32 $0x7, s0;
	[tilespmem:s8+$0xE100] =	vst v4;
	s5 =	sadd.s32 s5, s17;
	s26 =	sor.u32 $0x80, s13  }
0xd3: {  	v2 =	vld.idx.msk [tilespmem:v5+s18+$0x0], $0xffff;
	s0 =	sshll.u32 s0, $0x4;
	s5 =	sor.u32 $0x80, s5;
	[tilespmem:s26+$0xE100] =	vst v7  }
0xd4: {  	s0 =	sadd.s32 s0, s3;
	[tilespmem:s5+$0xE100] =	vst v3  }
0xd5: {  	s29 =	sadd.s32 $0x10, s0;
	s14 =	rddreg [dreg:$0xc]  }
0xd6: {  	s13 =	sadd.s32 $0x30, s0;
	s8 =	sor.u32 $0x80, s29;
	s0 =	sadd.s32 s14, s16  }
0xd7: {  	s15 =	sadd.s32 s4, s24;
	s3 =	sor.u32 $0x80, s13;
	[tilespmem:s8+$0xE100] =	vst v6;
	p5 =	sgt.u32 s0, $0xF9  }
0xd8: {  	s21 =	simm.s32 $0x10;
	s17 =	simm.s32 $0xE100;
	[tilespmem:s3+$0xE100] =	vst v2;
	s5 =	smul.u32 @!p5 $0x640, s0  }
0xd9: {  	[hbm4b:s15+s7] =	stream.linear.scatter [tilespmem:s17], [sflag:$0x6], $0x1900, $0x38;
	[tilespmem:$0x19000] =	vst v63  }
0xda: {  	s8 =	simm.s32 @!p5 $0x3200;
	s3 =	sadd.s32 @!p5 s1, s5;
	s5 =	simm.s32 @!p5 $0x0  }
0xdb: {  	[tilespmem:s8], [sflag:$0x2] =	stream.linear.gather @!p5 [hbm4b:s3+s5], $0x3200, $0x38;
	[tilespmem:$0x19000] =	vst v63  }
0xdc: {  	s22 =	simm.s32 $0x20;
	s23 =	simm.s32 $0xB;
	s3 =	simm.s32 @!p4 $0xD  }
0xdd: {  	s19 =	simm.s32 $0x30;
	s5 =	smul.u32 @!p4 $0x320, s10;
	_ =	swait.ge @!p4 [sflag:s3], $0x1900  }
0xde: {  	s14 =	simm.s32 $0x0;
	s8 =	simm.s32 @!p4 $0x12C00;
	[sflag:s3] =	ssyncset.done @!p4 $0x0  }
0xdf: {  	[sflag:s3] =	ssyncadd.s32 @!p4 $0xFFFFE700;
	s3 =	sadd.s32 @!p4 s2, s5;
	s5 =	simm.s32 @!p4 $0x0  }
0xe0: {  	v5 =	vmov s22;
	v4 =	vmov s21;
	v2 =	vmov s19;
	[tilespmem:s8], [sflag:$0x9] =	stream.linear.gather @!p4 [hbm4b:s3+s5], $0x1900, $0x38;
	[tilespmem:$0x19000] =	vst v63  }
0xe1: {  	s29 =	simm.s32 $0x60;
	v6 =	vshll.u32 v5, $0x1;
	v2 =	vshll.u32 v2, $0x2;
	v3 =	vmov s14;
	_ =	swait.ge [sflag:s23], $0x1900  }
0xe2: {  	v20 =	vmov s29;
	v9 =	vand.u32 $0xFFFFFF00, v2;
	v3 =	vshll.u32 v3, $0x2;
	[sflag:s23] =	ssyncset.done $0x0  }
0xe3: {  	s24 =	sadd.s32 s6, s11;
	s31 =	simm.s32 $0x15E00;
	v6 =	vor.u32 v0, v6;
	v10 =	vbroadcast v9, $0x0;
	v8 =	vand.u32 $0xFFFFFF00, v3;
	[sflag:s23] =	ssyncadd.s32 $0xFFFFE700  }
0xe4: {  	v3 =	vshll.u32 v4, $0x1;
	v4 =	vshll.u32 v4, $0x2;
	v7 =	vbroadcast v8, $0x0;
	[hbm4b:s24+s7] =	stream.linear.scatter [tilespmem:s31], [sflag:$0xF], $0x1900, $0x38;
	[tilespmem:$0x19000] =	vst v63  }
0xe5: {  	v3 =	vor.u32 v0, v3;
	v11 =	vand.u32 $0x3F00, v4;
	v16 =	vor.u32 v1, v10;
	_ =	swait.ge [sflag:s30], $0x3200  }
0xe6: {  	s25 =	simm.s32 $0x70;
	v9 =	vand.u32 $0x7E, v3;
	v3 =	vshll.u32 v5, $0x2;
	v7 =	vor.u32 v0, v7;
	[sflag:s30] =	ssyncset.done $0x0  }
0xe7: {  	v5 =	vand.u32 $0x7E, v6;
	v4 =	vand.u32 $0x3F00, v3;
	v14 =	vor.u32 v11, v9;
	s8 =	simm.s32 @!p2 $0x7;
	s24 =	simm.s32 $0x40;
	[sflag:s30] =	ssyncadd.s32 $0xFFFFCE00  }
0xe8: {  	s26 =	simm.s32 $0x50;
	v6 =	vmov s25;
	v15 =	vor.u32 v4, v5;
	v12 =	vmov s24;
	_ =	swait.ge @!p2 [sflag:s8], $0x1900  }
0xe9: {  	v4 =	vshll.u32 v6, $0x2;
	v6 =	vshll.u32 v12, $0x2;
	v12 =	vmov s26;
	[sflag:s8] =	ssyncset.done @!p2 $0x0  }
0xea: {  	s13 =	simm.s32 $0x4;
	v17 =	vshll.u32 v20, $0x1;
	v6 =	vand.u32 $0xFFFFFF00, v6;
	v10 =	vshll.u32 v12, $0x1;
	[sflag:s8] =	ssyncadd.s32 @!p2 $0xFFFFE700  }
0xeb: {  	s28 =	sand.u32 $0x50, s26;
	s17 =	sand.u32 $0x60, s29;
	s15 =	simm.s32 $0xB0;
	v18 =	vand.u32 $0xFFFFFF00, v4;
	v10 =	vor.u32 v0, v10;
	v13 =	vld.idx.msk [tilespmem:v7+s20+$0x0], $0xffff;
	v7 =	vbroadcast v6, $0x0  }
0xec: {  	s10 =	simm.s32 $0x0;
	s3 =	sand.u32 $0x60, s22;
	s5 =	sand.u32 $0x70, s19;
	v18 =	vbroadcast v18, $0x0;
	v12 =	vshll.u32 v12, $0x2;
	v19 =	vand.u32 $0x7E, v10;
	v14 =	vld.idx.msk [tilespmem:v14+s20+$0x0], $0xffff  }
0xed: {  	s19 =	sand.u32 $0x70, s25;
	s8 =	sand.u32 $0x50, s21;
	s21 =	sand.u32 $0x1F00, s10;
	v6 =	vor.u32 v0, v17;
	v15 =	vld.idx.msk [tilespmem:v15+s20+$0x0], $0xffff;
	v17 =	vor.u32 v0, v7;
	v7 =	vshll.u32 v20, $0x2  }
0xee: {  	s22 =	sand.u32 $0x40, s14;
	s14 =	simm.s32 $0x0;
	s21 =	sadd.s32 $0xFA00, s21;
	v16 =	vld.idx.msk [tilespmem:v16+s20+$0x0], $0xffff;
	v21 =	vand.u32 $0x7E, v6;
	v20 =	vand.u32 $0x3F00, v12;
	v22 =	vand.u32 $0x3F00, v7  }
.LBB2_11:
0xef: {  	s13 =	sadd.s32 $0x4, s13;
	s22 =	sor.u32 s22, s21;
	s23 =	smov.u32 s24  }
0xf0: {  	v23 =	vmov s15;
	v19 =	vor.u32 v20, v19;
	v20 =	vor.u32 v22, v21;
	s24 =	sadd.s32 $0xFFFFFFD0, s15;
	s25 =	smov.u32 s19;
	s19 =	sadd.s32 $0xFFFFFFE0, s15  }
0xf1: {  	s26 =	sadd.s32 $0xFFFFFFF0, s15;
	s8 =	sor.u32 s8, s21;
	v21 =	vmov s24;
	v22 =	vshll.u32 v23, $0x2;
	p4 =	slt.u32 s13, $0xC4;
	v23 =	vor.u32 v1, v18;
	[tilespmem:s22+$0x0] =	vst v13  }
0xf2: {  	v18 =	vmov s19;
	s22 =	sand.u32 $0x50, s19;
	s19 =	sand.u32 $0x70, s15;
	v13 =	vshll.u32 v21, $0x2;
	v21 =	vmov s26;
	s26 =	sand.u32 $0x60, s26  }
.Ltmp8:
0xf3: {  	s29 =	sor.u32 s3, s21;
	s21 =	sor.u32 s5, s21;
	v25 =	vshll.u32 v18, $0x1;
	v24 =	vand.u32 $0xFFFFFF00, v13;
	v26 =	vshll.u32 v21, $0x1;
	v13 =	vld.idx.msk [tilespmem:v17+s20+$0x0], $0xffff;
	(pc) =	sbr.rel @p4 .LBB2_11-.Ltmp8, $4  }
0xf4: {  	s3 =	smov.u32 s17;
	v22 =	vand.u32 $0xFFFFFF00, v22;
	v17 =	vbroadcast v24, $0x0;
	v24 =	vor.u32 v0, v25;
	[tilespmem:s8+$0x0] =	vst v14;
	s8 =	smov.u32 s28;
	s28 =	smov.u32 s22  }
0xf5: {  	s14 =	sadd.s32 $0x80, s14;
	s5 =	smov.u32 s25;
	s17 =	smov.u32 s26;
	v25 =	vshll.u32 v18, $0x2;
	v26 =	vor.u32 v0, v26;
	v18 =	vbroadcast v22, $0x0;
	v14 =	vld.idx.msk [tilespmem:v19+s20+$0x0], $0xffff;
	[tilespmem:s29+$0x0] =	vst v15  }
0xf6: {  	s25 =	sand.u32 $0x1F00, s14;
	v22 =	vshll.u32 v21, $0x2;
	v19 =	vand.u32 $0x7E, v24;
	v17 =	vor.u32 v0, v17;
	v15 =	vld.idx.msk [tilespmem:v20+s20+$0x0], $0xffff;
	[tilespmem:s21+$0x0] =	vst v16  }
0xf7: {  	s15 =	sadd.s32 $0x40, s15;
	s22 =	sand.u32 $0x40, s23;
	v21 =	vand.u32 $0x7E, v26;
	v22 =	vand.u32 $0x3F00, v22;
	v20 =	vand.u32 $0x3F00, v25;
	s21 =	sadd.s32 $0xFA00, s25;
	v16 =	vld.idx.msk [tilespmem:v23+s20+$0x0], $0xffff  }
0xf8: {  	v19 =	vor.u32 v20, v19  }
0xf9: {  	v58 =	vor.u32 v22, v21  }
0xfa: {  	v18 =	vor.u32 v1, v18;
	_ =	sdelay $0x1  }
0xfb: {  	s13 =	sor.u32 s22, s21;
	v17 =	vld.idx.msk [tilespmem:v17+s20+$0x0], $0xffff  }
0xfc: {  	s8 =	sor.u32 s8, s21;
	s29 =	sadd.s32 $0x80, s14;
	v8 =	vor.u32 $0x80, v8;
	[tilespmem:s13+$0x0] =	vst v13;
	v59 =	vld.idx.msk [tilespmem:v19+s20+$0x0], $0xffff  }
0xfd: {  	s3 =	sor.u32 s3, s21;
	s14 =	sand.u32 $0x1F00, s29;
	v8 =	vbroadcast v8, $0x0;
	[tilespmem:s8+$0x0] =	vst v14;
	v60 =	vld.idx.msk [tilespmem:v58+s20+$0x0], $0xffff  }
0xfe: {  	s5 =	sor.u32 s5, s21;
	s15 =	sand.u32 $0x40, s24;
	s8 =	sadd.s32 $0xFA00, s14;
	[tilespmem:s3+$0x0] =	vst v15;
	v61 =	vld.idx.msk [tilespmem:v18+s20+$0x0], $0xffff  }
0xff: {  	v9 =	vor.u32 v9, v11;
	s3 =	sor.u32 s15, s8;
	v8 =	vor.u32 v0, v8;
	[tilespmem:s5+$0x0] =	vst v16  }
0x100: {  	v2 =	vand.u32 $0xFFFFFF80, v2;
	s21 =	simm.s32 $0x40;
	v9 =	vor.u32 $0x80, v9;
	s22 =	sor.u32 s28, s8;
	[tilespmem:s3+$0x0] =	vst v17  }
0x101: {  	v5 =	vor.u32 v3, v5;
	v2 =	vbroadcast v2, $0x0;
	v11 =	vmov s21;
	s23 =	sor.u32 s17, s8;
	[tilespmem:s22+$0x0] =	vst v59  }
0x102: {  	s24 =	simm.s32 $0x20;
	v3 =	vshll.u32 v11, $0x2;
	s25 =	sor.u32 s19, s8;
	[tilespmem:s23+$0x0] =	vst v60  }
0x103: {  	p4 =	por $0x0, $0x0;
	s26 =	sand.u32 $0x7, s10;
	v11 =	vor.u32 v1, v2;
	v2 =	vand.u32 $0xFFFFFF00, v3;
	s28 =	sand.u32 $0x3, s10;
	[tilespmem:s25+$0x0] =	vst v61  }
0x104: {  	s17 =	simm.s32 $0x4;
	s5 =	simm.s32 $0x1;
	v2 =	vor.u32 $0x80, v2;
	s8 =	sshll.u32 s28, $0x5;
	v3 =	vld.idx.msk [tilespmem:v8+s20+$0x0], $0xffff  }
0x105: {  	v4 =	vand.u32 $0xFFFFFF80, v4;
	s5 =	simm.s32 @!p4 $0x0;
	v62 =	vbroadcast v2, $0x0;
	s3 =	sshll.u32 s26, $0x4;
	s8 =	sadd.s32 $0x20, s8;
	v2 =	vld.idx.msk [tilespmem:v9+s20+$0x0], $0xffff  }
0x106: {  	v63 =	vbroadcast v4, $0x0;
	s5 =	sshll.u32 s5, $0x6;
	s14 =	sadd.s32 $0x0, s3;
	s13 =	sor.u32 $0x80, s8;
	v9 =	vand.u32 $0x7E, v10;
	v10 =	vand.u32 $0x3F00, v12;
	v8 =	vld.idx.msk [tilespmem:v5+s20+$0x0], $0xffff  }
0x107: {  	v6 =	vand.u32 $0x7E, v6;
	s8 =	simm.s32 $0xB0;
	s3 =	simm.s32 $0x0;
	s29 =	sadd.s32 $0x0, s5;
	v5 =	vor.u32 v9, v10;
	v10 =	vor.u32 v0, v62  }
0x108: {  	v6 =	vor.u32 v7, v6;
	s19 =	sadd.s32 $0x10, s14;
	s5 =	simm.s32 $0x0;
	s15 =	sor.u32 $0x80, s29;
	v4 =	vld.idx.msk [tilespmem:v11+s20+$0x0], $0xffff;
	v9 =	vor.u32 $0x80, v5;
	v5 =	vor.u32 v1, v63  }
.LBB2_13:
0x109: {  	s21 =	sadd.s32 $0xFFFFFFD0, s8;
	s22 =	sadd.s32 $0xFFFFFFE0, s8;
	v7 =	vmov s8;
	s17 =	sadd.s32 $0x4, s17;
	[tilespmem:s15+$0xFA00] =	vst v3  }
0x10a: {  	s15 =	sadd.s32 $0xFFFFFFF0, s8;
	s14 =	sadd.s32 $0x30, s14;
	v3 =	vmov s21;
	v11 =	vmov s22;
	v7 =	vshll.u32 v7, $0x2;
	p6 =	slt.u32 s17, $0xC4  }
0x10b: {  	s10 =	sadd.s32 $0x4, s10;
	v13 =	vmov s15;
	s15 =	sor.u32 $0x80, s19;
	v3 =	vshll.u32 v3, $0x2;
	v12 =	vshll.u32 v11, $0x1;
	[tilespmem:s13+$0xFA00] =	vst v8;
	s13 =	sor.u32 $0x80, s14  }
0x10c: {  	s24 =	sadd.s32 $0x80, s24;
	s5 =	sadd.s32 $0x2, s5;
	v11 =	vshll.u32 v11, $0x2;
	s14 =	sand.u32 $0x7, s10;
	v8 =	vand.u32 $0xFFFFFF00, v3;
	v12 =	vor.u32 v0, v12;
	v3 =	vld.idx.msk [tilespmem:v10+s20+$0x0], $0xffff;
	[tilespmem:s15+$0xFA00] =	vst v2  }
0x10d: {  	p4 =	por !p4, !p4;
	s15 =	sand.u32 $0x3, s5;
	[tilespmem:s13+$0xFA00] =	vst v4;
	s13 =	sshll.u32 s14, $0x4  }
.Ltmp9:
0x10e: {  	v7 =	vand.u32 $0xFFFFFF80, v7;
	v10 =	vshll.u32 v13, $0x1;
	v8 =	vor.u32 $0x80, v8;
	v2 =	vld.idx.msk [tilespmem:v9+s20+$0x0], $0xffff;
	s14 =	sshll.u32 s15, $0x5;
	s15 =	simm.s32 $0x1;
	(pc) =	sbr.rel @p6 .LBB2_13-.Ltmp9, $4  }
0x10f: {  	v11 =	vand.u32 $0x3F00, v11;
	v4 =	vand.u32 $0x7E, v12;
	v9 =	vbroadcast v8, $0x0;
	s15 =	simm.s32 @!p4 $0x0;
	v8 =	vld.idx.msk [tilespmem:v6+s20+$0x0], $0xffff  }
0x110: {  	s3 =	sadd.s32 $0x80, s3;
	v7 =	vbroadcast v7, $0x0;
	v6 =	vor.u32 v4, v11;
	v11 =	vor.u32 v0, v10;
	s19 =	sadd.s32 s14, s24;
	s15 =	sshll.u32 s15, $0x6;
	v4 =	vld.idx.msk [tilespmem:v5+s20+$0x0], $0xffff  }
0x111: {  	s14 =	sadd.s32 s13, s3;
	v5 =	vand.u32 $0x7E, v11;
	v11 =	vshll.u32 v13, $0x2;
	s13 =	sor.u32 $0x80, s19;
	v10 =	vor.u32 v0, v9;
	s15 =	sadd.s32 s15, s3  }
0x112: {  	s8 =	sadd.s32 $0x40, s8;
	s19 =	sadd.s32 $0x10, s14;
	v9 =	vor.u32 $0x80, v6;
	v6 =	vor.u32 v11, v5;
	v5 =	vor.u32 v1, v7;
	s15 =	sor.u32 $0x80, s15  }
0x113: {  	_ =	sdelay $0x2  }
0x114: {  	s8 =	sadd.s32 $0x30, s14;
	s23 =	sor.u32 $0x80, s19  }
0x115: {  	s10 =	sadd.s32 $0x4, s10;
	v7 =	vld.idx.msk [tilespmem:v10+s20+$0x0], $0xffff;
	p4 =	por !p4, !p4;
	s19 =	simm.s32 $0x1  }
0x116: {  	s17 =	sadd.s32 $0x80, s24;
	[tilespmem:s15+$0xFA00] =	vst v3;
	s5 =	sadd.s32 $0x2, s5;
	v3 =	vld.idx.msk [tilespmem:v6+s20+$0x0], $0xffff;
	s19 =	simm.s32 @!p4 $0x0  }
0x117: {  	s3 =	sadd.s32 $0x80, s3;
	[tilespmem:s13+$0xFA00] =	vst v8;
	s5 =	sand.u32 $0x3, s5;
	s24 =	sshll.u32 s19, $0x6  }
0x118: {  	s8 =	sor.u32 $0x80, s8;
	[tilespmem:s23+$0xFA00] =	vst v2;
	s5 =	sshll.u32 s5, $0x5;
	s13 =	sadd.s32 s24, s3  }
0x119: {  	v63 =	vld.idx.msk [tilespmem:v9+s20+$0x0], $0xffff;
	s10 =	sand.u32 $0x7, s10;
	[tilespmem:s8+$0xFA00] =	vst v4;
	s5 =	sadd.s32 s5, s17;
	s25 =	sor.u32 $0x80, s13  }
0x11a: {  	v2 =	vld.idx.msk [tilespmem:v5+s20+$0x0], $0xffff;
	s10 =	sshll.u32 s10, $0x4;
	s5 =	sor.u32 $0x80, s5;
	[tilespmem:s25+$0xFA00] =	vst v7  }
0x11b: {  	s3 =	sadd.s32 s10, s3;
	[tilespmem:s5+$0xFA00] =	vst v3  }
0x11c: {  	s10 =	sadd.s32 $0x10, s3;
	s5 =	rddreg [dreg:$0xd]  }
0x11d: {  	s3 =	sadd.s32 $0x30, s3;
	s26 =	sor.u32 $0x80, s10;
	s5 =	sadd.s32 s5, s16  }
0x11e: {  	s0 =	smul.u32 @!p5 $0x320, s0;
	s3 =	sor.u32 $0x80, s3;
	[tilespmem:s26+$0xFA00] =	vst v63;
	p4 =	sgt.u32 s5, $0xF9  }
0x11f: {  	s28 =	sadd.s32 s4, s11;
	s29 =	simm.s32 $0xFA00;
	[tilespmem:s3+$0xFA00] =	vst v2;
	s5 =	smul.u32 @!p4 $0x640, s5  }
0x120: {  	[hbm4b:s28+s7] =	stream.linear.scatter [tilespmem:s29], [sflag:$0x7], $0x1900, $0x38;
	[tilespmem:$0x19000] =	vst v63  }
0x121: {  	s8 =	simm.s32 @!p4 $0x6400;
	s3 =	sadd.s32 @!p4 s1, s5;
	s5 =	simm.s32 @!p4 $0x0  }
0x122: {  	[tilespmem:s8], [sflag:$0x3] =	stream.linear.gather @!p4 [hbm4b:s3+s5], $0x3200, $0x38;
	[tilespmem:$0x19000] =	vst v63  }
.Ltmp10:
0x123: {  	s3 =	simm.s32 @!p5 $0xE;
	(pc) =	sbr.rel @p3 .LBB2_20-.Ltmp10, $4  }
0x124: {  	_ =	swait.ge @!p5 [sflag:s3], $0x1900  }
0x125: {  	s0 =	sadd.s32 @!p5 s2, s0;
	[sflag:s3] =	ssyncset.done @!p5 $0x0  }
0x126: {  	s5 =	simm.s32 @!p5 $0x14500;
	[sflag:s3] =	ssyncadd.s32 @!p5 $0xFFFFE700;
	s3 =	simm.s32 @!p5 $0x0  }
0x127: {  	[tilespmem:s5], [sflag:$0xA] =	stream.linear.gather @!p5 [hbm4b:s0+s3], $0x1900, $0x38;
	[tilespmem:$0x19000] =	vst v63  }
0x128: {  	s5 =	simm.s32 $0x30  }
0x129: {  	s14 =	simm.s32 $0x0;
	s3 =	simm.s32 $0x10;
	s13 =	simm.s32 $0x20  }
0x12a: {  	s8 =	simm.s32 $0xC;
	s11 =	simm.s32 $0x40;
	s16 =	simm.s32 $0x60;
	v2 =	vmov s5;
	v3 =	vmov s14;
	v4 =	vmov s3  }
0x12b: {  	s0 =	smul.u32 $0x320, s12;
	_ =	swait.ge [sflag:s8], $0x1900;
	v5 =	vmov s13;
	v12 =	vmov s11;
	v20 =	vmov s16  }
0x12c: {  	s10 =	simm.s32 $0x17700;
	v2 =	vshll.u32 v2, $0x2;
	v3 =	vshll.u32 v3, $0x2;
	[sflag:s8] =	ssyncset.done $0x0;
	v6 =	vshll.u32 v5, $0x1  }
0x12d: {  	s28 =	simm.s32 $0x4;
	s26 =	sadd.s32 s6, s0;
	v8 =	vand.u32 $0xFFFFFF00, v3;
	v3 =	vshll.u32 v4, $0x1;
	[sflag:s8] =	ssyncadd.s32 $0xFFFFE700;
	v9 =	vand.u32 $0xFFFFFF00, v2  }
0x12e: {  	v4 =	vshll.u32 v4, $0x2;
	v6 =	vor.u32 v0, v6;
	v7 =	vbroadcast v8, $0x0;
	[hbm4b:s26+s7] =	stream.linear.scatter [tilespmem:s10], [sflag:$0x10], $0x1900, $0x38;
	[tilespmem:$0x19000] =	vst v63  }
0x12f: {  	v3 =	vor.u32 v0, v3;
	v10 =	vbroadcast v9, $0x0;
	v11 =	vand.u32 $0x3F00, v4;
	_ =	swait.ge [sflag:s28], $0x3200  }
0x130: {  	v9 =	vand.u32 $0x7E, v3;
	v3 =	vshll.u32 v5, $0x2;
	v7 =	vor.u32 v0, v7;
	[sflag:s28] =	ssyncset.done $0x0  }
0x131: {  	s15 =	simm.s32 $0x70;
	s8 =	simm.s32 @!p2 $0x8;
	v5 =	vand.u32 $0x7E, v6;
	v4 =	vand.u32 $0x3F00, v3;
	v14 =	vor.u32 v11, v9;
	[sflag:s28] =	ssyncadd.s32 $0xFFFFCE00  }
0x132: {  	s29 =	simm.s32 $0x50;
	v6 =	vmov s15;
	v16 =	vor.u32 v1, v10;
	v15 =	vor.u32 v4, v5;
	_ =	swait.ge @!p2 [sflag:s8], $0x1900  }
0x133: {  	v4 =	vshll.u32 v6, $0x2;
	v6 =	vshll.u32 v12, $0x2;
	v12 =	vmov s29;
	[sflag:s8] =	ssyncset.done @!p2 $0x0  }
0x134: {  	s5 =	sand.u32 $0x70, s5;
	v17 =	vshll.u32 v20, $0x1;
	v6 =	vand.u32 $0xFFFFFF00, v6;
	v10 =	vshll.u32 v12, $0x1;
	[sflag:s8] =	ssyncadd.s32 @!p2 $0xFFFFE700  }
0x135: {  	s12 =	sand.u32 $0x50, s29;
	s16 =	sand.u32 $0x60, s16;
	s10 =	simm.s32 $0x0;
	v18 =	vand.u32 $0xFFFFFF00, v4;
	v10 =	vor.u32 v0, v10;
	v13 =	vld.idx.msk [tilespmem:v7+s9+$0x0], $0xffff;
	v7 =	vbroadcast v6, $0x0  }
0x136: {  	s17 =	sand.u32 $0x70, s15;
	s21 =	sand.u32 $0x40, s14;
	s19 =	sand.u32 $0x1F00, s10;
	v12 =	vshll.u32 v12, $0x2;
	v18 =	vbroadcast v18, $0x0;
	v19 =	vand.u32 $0x7E, v10;
	v14 =	vld.idx.msk [tilespmem:v14+s9+$0x0], $0xffff  }
0x137: {  	s14 =	simm.s32 $0x0;
	s15 =	simm.s32 $0xB0;
	s19 =	sadd.s32 $0x11300, s19;
	v6 =	vor.u32 v0, v17;
	v16 =	vld.idx.msk [tilespmem:v16+s9+$0x0], $0xffff;
	v17 =	vor.u32 v0, v7;
	v7 =	vshll.u32 v20, $0x2  }
0x138: {  	s8 =	sand.u32 $0x50, s3;
	s3 =	sand.u32 $0x60, s13;
	s13 =	simm.s32 $0x4;
	v15 =	vld.idx.msk [tilespmem:v15+s9+$0x0], $0xffff;
	v21 =	vand.u32 $0x7E, v6;
	v20 =	vand.u32 $0x3F00, v12;
	v22 =	vand.u32 $0x3F00, v7  }
.LBB2_16:
0x139: {  	s13 =	sadd.s32 $0x4, s13;
	s21 =	sor.u32 s21, s19;
	s22 =	smov.u32 s11  }
0x13a: {  	v23 =	vmov s15;
	v19 =	vor.u32 v20, v19;
	v20 =	vor.u32 v22, v21;
	s11 =	sadd.s32 $0xFFFFFFD0, s15;
	s23 =	smov.u32 s17;
	s17 =	sadd.s32 $0xFFFFFFE0, s15  }
0x13b: {  	s24 =	sadd.s32 $0xFFFFFFF0, s15;
	s8 =	sor.u32 s8, s19;
	v21 =	vmov s11;
	v22 =	vshll.u32 v23, $0x2;
	p3 =	slt.u32 s13, $0xC4;
	v23 =	vor.u32 v1, v18;
	[tilespmem:s21+$0x0] =	vst v13  }
0x13c: {  	v18 =	vmov s17;
	s21 =	sand.u32 $0x50, s17;
	s17 =	sand.u32 $0x70, s15;
	v13 =	vshll.u32 v21, $0x2;
	v21 =	vmov s24;
	s24 =	sand.u32 $0x60, s24  }
.Ltmp11:
0x13d: {  	s25 =	sor.u32 s3, s19;
	s19 =	sor.u32 s5, s19;
	v25 =	vshll.u32 v18, $0x1;
	v24 =	vand.u32 $0xFFFFFF00, v13;
	v26 =	vshll.u32 v21, $0x1;
	v13 =	vld.idx.msk [tilespmem:v17+s9+$0x0], $0xffff;
	(pc) =	sbr.rel @p3 .LBB2_16-.Ltmp11, $4  }
0x13e: {  	s3 =	smov.u32 s16;
	v22 =	vand.u32 $0xFFFFFF00, v22;
	v17 =	vbroadcast v24, $0x0;
	v24 =	vor.u32 v0, v25;
	[tilespmem:s8+$0x0] =	vst v14;
	s8 =	smov.u32 s12;
	s12 =	smov.u32 s21  }
0x13f: {  	s14 =	sadd.s32 $0x80, s14;
	s5 =	smov.u32 s23;
	s16 =	smov.u32 s24;
	v25 =	vshll.u32 v18, $0x2;
	v26 =	vor.u32 v0, v26;
	v18 =	vbroadcast v22, $0x0;
	v14 =	vld.idx.msk [tilespmem:v19+s9+$0x0], $0xffff;
	[tilespmem:s25+$0x0] =	vst v15  }
0x140: {  	s23 =	sand.u32 $0x1F00, s14;
	v22 =	vshll.u32 v21, $0x2;
	v19 =	vand.u32 $0x7E, v24;
	v17 =	vor.u32 v0, v17;
	v15 =	vld.idx.msk [tilespmem:v20+s9+$0x0], $0xffff;
	[tilespmem:s19+$0x0] =	vst v16  }
0x141: {  	s15 =	sadd.s32 $0x40, s15;
	s21 =	sand.u32 $0x40, s22;
	v21 =	vand.u32 $0x7E, v26;
	v22 =	vand.u32 $0x3F00, v22;
	v20 =	vand.u32 $0x3F00, v25;
	s19 =	sadd.s32 $0x11300, s23;
	v16 =	vld.idx.msk [tilespmem:v23+s9+$0x0], $0xffff  }
0x142: {  	v19 =	vor.u32 v20, v19  }
0x143: {  	v58 =	vor.u32 v22, v21  }
0x144: {  	v18 =	vor.u32 v1, v18;
	_ =	sdelay $0x1  }
0x145: {  	s13 =	sor.u32 s21, s19;
	v17 =	vld.idx.msk [tilespmem:v17+s9+$0x0], $0xffff  }
0x146: {  	s8 =	sor.u32 s8, s19;
	s14 =	sadd.s32 $0x80, s14;
	v8 =	vor.u32 $0x80, v8;
	[tilespmem:s13+$0x0] =	vst v13;
	v59 =	vld.idx.msk [tilespmem:v19+s9+$0x0], $0xffff  }
0x147: {  	s3 =	sor.u32 s3, s19;
	s15 =	sand.u32 $0x1F00, s14;
	v8 =	vbroadcast v8, $0x0;
	[tilespmem:s8+$0x0] =	vst v14;
	v60 =	vld.idx.msk [tilespmem:v58+s9+$0x0], $0xffff  }
0x148: {  	s5 =	sor.u32 s5, s19;
	s21 =	sand.u32 $0x40, s11;
	s8 =	sadd.s32 $0x11300, s15;
	[tilespmem:s3+$0x0] =	vst v15;
	v61 =	vld.idx.msk [tilespmem:v18+s9+$0x0], $0xffff  }
0x149: {  	v9 =	vor.u32 v9, v11;
	s3 =	sor.u32 s21, s8;
	v8 =	vor.u32 v0, v8;
	[tilespmem:s5+$0x0] =	vst v16  }
0x14a: {  	v2 =	vand.u32 $0xFFFFFF80, v2;
	s22 =	simm.s32 $0x40;
	v9 =	vor.u32 $0x80, v9;
	s23 =	sor.u32 s12, s8;
	[tilespmem:s3+$0x0] =	vst v17  }
0x14b: {  	v5 =	vor.u32 v3, v5;
	v2 =	vbroadcast v2, $0x0;
	v11 =	vmov s22;
	s24 =	sor.u32 s16, s8;
	[tilespmem:s23+$0x0] =	vst v59  }
0x14c: {  	s11 =	simm.s32 $0x20;
	v3 =	vshll.u32 v11, $0x2;
	s25 =	sor.u32 s17, s8;
	[tilespmem:s24+$0x0] =	vst v60  }
0x14d: {  	p3 =	por $0x0, $0x0;
	s26 =	sand.u32 $0x7, s10;
	s28 =	sand.u32 $0x3, s10;
	v11 =	vor.u32 v1, v2;
	v2 =	vand.u32 $0xFFFFFF00, v3;
	[tilespmem:s25+$0x0] =	vst v61  }
0x14e: {  	s12 =	simm.s32 $0x4;
	s8 =	sshll.u32 s28, $0x5;
	s5 =	simm.s32 $0x1;
	v2 =	vor.u32 $0x80, v2;
	v3 =	vld.idx.msk [tilespmem:v8+s9+$0x0], $0xffff  }
0x14f: {  	v4 =	vand.u32 $0xFFFFFF80, v4;
	s8 =	sadd.s32 $0x20, s8;
	s5 =	simm.s32 @!p3 $0x0;
	v62 =	vbroadcast v2, $0x0;
	s3 =	sshll.u32 s26, $0x4;
	v2 =	vld.idx.msk [tilespmem:v9+s9+$0x0], $0xffff  }
0x150: {  	v63 =	vbroadcast v4, $0x0;
	s13 =	sor.u32 $0x80, s8;
	s8 =	simm.s32 $0xB0;
	s5 =	sshll.u32 s5, $0x6;
	v9 =	vand.u32 $0x7E, v10;
	v10 =	vand.u32 $0x3F00, v12;
	v8 =	vld.idx.msk [tilespmem:v5+s9+$0x0], $0xffff  }
0x151: {  	v6 =	vand.u32 $0x7E, v6;
	s14 =	sadd.s32 $0x0, s3;
	s3 =	simm.s32 $0x0;
	s29 =	sadd.s32 $0x0, s5;
	v5 =	vor.u32 v9, v10;
	v10 =	vor.u32 v0, v62  }
0x152: {  	v6 =	vor.u32 v7, v6;
	s16 =	sadd.s32 $0x10, s14;
	s5 =	simm.s32 $0x0;
	s15 =	sor.u32 $0x80, s29;
	v4 =	vld.idx.msk [tilespmem:v11+s9+$0x0], $0xffff;
	v9 =	vor.u32 $0x80, v5;
	v5 =	vor.u32 v1, v63  }
.LBB2_18:
0x153: {  	s17 =	sadd.s32 $0xFFFFFFD0, s8;
	s19 =	sadd.s32 $0xFFFFFFE0, s8;
	v7 =	vmov s8;
	s12 =	sadd.s32 $0x4, s12;
	[tilespmem:s15+$0x11300] =	vst v3  }
0x154: {  	s15 =	sadd.s32 $0xFFFFFFF0, s8;
	s14 =	sadd.s32 $0x30, s14;
	v3 =	vmov s17;
	v11 =	vmov s19;
	v7 =	vshll.u32 v7, $0x2;
	p4 =	slt.u32 s12, $0xC4  }
0x155: {  	s10 =	sadd.s32 $0x4, s10;
	v13 =	vmov s15;
	s15 =	sor.u32 $0x80, s16;
	v3 =	vshll.u32 v3, $0x2;
	v12 =	vshll.u32 v11, $0x1;
	[tilespmem:s13+$0x11300] =	vst v8;
	s13 =	sor.u32 $0x80, s14  }
0x156: {  	s11 =	sadd.s32 $0x80, s11;
	s5 =	sadd.s32 $0x2, s5;
	v11 =	vshll.u32 v11, $0x2;
	s14 =	sand.u32 $0x7, s10;
	v8 =	vand.u32 $0xFFFFFF00, v3;
	v12 =	vor.u32 v0, v12;
	v3 =	vld.idx.msk [tilespmem:v10+s9+$0x0], $0xffff;
	[tilespmem:s15+$0x11300] =	vst v2  }
0x157: {  	p3 =	por !p3, !p3;
	s15 =	sand.u32 $0x3, s5;
	[tilespmem:s13+$0x11300] =	vst v4;
	s13 =	sshll.u32 s14, $0x4  }
.Ltmp12:
0x158: {  	v7 =	vand.u32 $0xFFFFFF80, v7;
	v10 =	vshll.u32 v13, $0x1;
	v8 =	vor.u32 $0x80, v8;
	v2 =	vld.idx.msk [tilespmem:v9+s9+$0x0], $0xffff;
	s14 =	sshll.u32 s15, $0x5;
	s15 =	simm.s32 $0x1;
	(pc) =	sbr.rel @p4 .LBB2_18-.Ltmp12, $4  }
0x159: {  	v11 =	vand.u32 $0x3F00, v11;
	v4 =	vand.u32 $0x7E, v12;
	v9 =	vbroadcast v8, $0x0;
	s15 =	simm.s32 @!p3 $0x0;
	v8 =	vld.idx.msk [tilespmem:v6+s9+$0x0], $0xffff  }
0x15a: {  	s3 =	sadd.s32 $0x80, s3;
	v7 =	vbroadcast v7, $0x0;
	v6 =	vor.u32 v4, v11;
	v11 =	vor.u32 v0, v10;
	s16 =	sadd.s32 s14, s11;
	s15 =	sshll.u32 s15, $0x6;
	v4 =	vld.idx.msk [tilespmem:v5+s9+$0x0], $0xffff  }
0x15b: {  	s14 =	sadd.s32 s13, s3;
	v5 =	vand.u32 $0x7E, v11;
	v11 =	vshll.u32 v13, $0x2;
	s13 =	sor.u32 $0x80, s16;
	v10 =	vor.u32 v0, v9;
	s15 =	sadd.s32 s15, s3  }
0x15c: {  	s8 =	sadd.s32 $0x40, s8;
	s16 =	sadd.s32 $0x10, s14;
	v9 =	vor.u32 $0x80, v6;
	v6 =	vor.u32 v11, v5;
	v5 =	vor.u32 v1, v7;
	s15 =	sor.u32 $0x80, s15  }
0x15d: {  	_ =	sdelay $0x1  }
0x15e: {  	s8 =	sadd.s32 $0x30, s14  }
0x15f: {  	s12 =	sor.u32 $0x80, s16;
	s10 =	sadd.s32 $0x4, s10;
	s11 =	sadd.s32 $0x80, s11  }
0x160: {  	v7 =	vld.idx.msk [tilespmem:v10+s9+$0x0], $0xffff;
	p3 =	por !p3, !p3;
	s14 =	simm.s32 $0x1;
	s5 =	sadd.s32 $0x2, s5  }
0x161: {  	[tilespmem:s15+$0x11300] =	vst v3;
	v3 =	vld.idx.msk [tilespmem:v6+s9+$0x0], $0xffff;
	s3 =	sadd.s32 $0x80, s3;
	s8 =	sor.u32 $0x80, s8;
	s14 =	simm.s32 @!p3 $0x0  }
0x162: {  	v63 =	vld.idx.msk [tilespmem:v9+s9+$0x0], $0xffff;
	s10 =	sand.u32 $0x7, s10;
	[tilespmem:s13+$0x11300] =	vst v8;
	s5 =	sand.u32 $0x3, s5;
	s24 =	sshll.u32 s14, $0x6  }
0x163: {  	[tilespmem:s12+$0x11300] =	vst v2;
	v2 =	vld.idx.msk [tilespmem:v5+s9+$0x0], $0xffff;
	s10 =	sshll.u32 s10, $0x4;
	s5 =	sshll.u32 s5, $0x5;
	s25 =	sadd.s32 s24, s3  }
0x164: {  	[tilespmem:s8+$0x11300] =	vst v4;
	s5 =	sadd.s32 s5, s11;
	s3 =	sadd.s32 s10, s3;
	s26 =	sor.u32 $0x80, s25  }
.Ltmp13:
0x165: {  	s5 =	sor.u32 $0x80, s5;
	s10 =	sadd.s32 $0x10, s3;
	[tilespmem:s26+$0x11300] =	vst v7;
	(pc) =	sbr.rel .LBB2_20-.Ltmp13, $4  }
0x166: {  	s3 =	sadd.s32 $0x30, s3;
	s28 =	sor.u32 $0x80, s10;
	[tilespmem:s5+$0x11300] =	vst v3  }
0x167: {  	s3 =	sor.u32 $0x80, s3;
	[tilespmem:s28+$0x11300] =	vst v63  }
0x168: {  	s0 =	sadd.s32 s4, s0;
	s29 =	simm.s32 $0x11300;
	[tilespmem:s3+$0x11300] =	vst v2  }
0x169: {  	[hbm4b:s0+s7] =	stream.linear.scatter [tilespmem:s29], [sflag:$0x8], $0x1900, $0x38;
	[tilespmem:$0x19000] =	vst v63  }
.LBB2_22:
0x16a: {  	_ =	sfence.sel $0x180000  }
0x16b: {  	[bflag:$0x0] =	sbarrier.arrive $0xFFFF  }
0x16c: {  	_ =	strace $0x90000047  }
0x16d: {  	s0 =	stileid.u32;
	[bflag:$0x2] =	sbarrier.arrive $0xFFFF  }
0x16e: {  	p0 =	sne.s32 s0, $0x0;
	s0 =	rddreg [dreg:$0x4]  }
0x16f: {  	s0 =	sadd.s32 @!p0 $0x100000, s0  }
0x170: {  	[sflag:s0] =	ssyncadd.tile.s32 @!p0 $0x1;
	_ =	shalt  }
.Lfunc_end2:
_tile_overlayer_lowered:
.L_overlay_start_2:
0x171: {  	(tag) =	ssettag $0x2  }
0x172: {  	s0 =	rddreg [dreg:$0x0];
	s2 =	stileid.u32  }
0x173: {  	s1 =	rddreg [dreg:$0x1];
	p0 =	sne.s32 s2, $0x0  }
0x174: {  	s3 =	rddreg [dreg:$0x2];
	[bflag:$0x3] =	sbarrier.arrive $0xFFFF;
	s2 =	simm.s32 @!p0 $0x1C11  }
0x175: {  	[timem:s3], [sflag:s2] =	dma.local @!p0 [hbm:s0], s1  }
0x176: {  	s0 =	simm.s32 @!p0 $0x11  }
0x177: {  	_ =	swait.ge @!p0 [sflag:s0], s1  }
0x178: {  	s1 =	ssub.s32 @!p0 $0x0, s1;
	[sflag:s0] =	ssyncset.done @!p0 $0x0  }
0x179: {  	[sflag:s0] =	ssyncadd.s32 @!p0 s1  }
0x17a: {  	[bflag:$0x3] =	sbarrier.arrive $0xFFFF  }
0x17b: {  	_ =	shalt  }

</sc_bundles>
